<compile_context>
chip_gen: v7x
topology: tpu7x:2x2x1
jax: 0.10.2.dev20260603
libtpu: 0.0.44.dev20260713+nightly
codegen_flags: <defaults>
</compile_context>

<pallas_src>
import functools
import math

import jax
import jax.numpy as jnp
from jax import lax
from jax.experimental import pallas as pl
from jax.experimental.pallas import tpu as pltpu
from jax.experimental.pallas import tpu_sc as plsc

D = 64
NC, NS, L = 2, 16, 16
NW = NC * NS


def kernel(x, table, pe):
    B, S = x.shape
    N = B * S
    n_per_w = N // NW
    C = 128
    n_chunks = n_per_w // C
    spc = S // C

    x1 = x.reshape(N).astype(jnp.int32)
    pe1 = pe.astype(jnp.float32).reshape(S * D)
    table128 = jnp.pad(table, ((0, 0), (0, 128 - D)))
    scale = jnp.float32(math.sqrt(D))

    mesh = plsc.VectorSubcoreMesh(
        core_axis_name="c", subcore_axis_name="s",
        num_cores=NC, num_subcores=NS)

    @functools.partial(
        pl.kernel,
        out_type=jax.ShapeDtypeStruct((B, D, S), jnp.float32),
        mesh=mesh,
        compiler_params=pltpu.CompilerParams(needs_layout_passes=False),
        scratch_types=[
            pltpu.VMEM((S * D,), jnp.float32),
            pltpu.VMEM((n_per_w,), jnp.int32),
            pltpu.VMEM((C, 128), jnp.float32),
            pltpu.VMEM((C, 128), jnp.float32),
            pltpu.VMEM((D * C,), jnp.float32),
            pltpu.VMEM((D, C), jnp.float32),
            pltpu.VMEM((D, C), jnp.float32),
            pltpu.SemaphoreType.DMA,
            pltpu.SemaphoreType.DMA,
            pltpu.SemaphoreType.DMA,
            pltpu.SemaphoreType.DMA,
        ],
    )
    def body(x_hbm, table_hbm, pe_hbm, out_hbm, pe_v, idx_v,
             r0, r1, tbuf, o0, o1, gs0, gs1, ss0, ss1):
        wid = lax.axis_index("s") * NC + lax.axis_index("c")
        w_base = wid * n_per_w
        w_seq = wid * (n_per_w // S)
        pltpu.sync_copy(pe_hbm, pe_v)
        pltpu.sync_copy(x_hbm.at[pl.ds(w_base, n_per_w)], idx_v)

        def fire_gather(g, rbuf, gsem):
            pltpu.async_copy(
                table_hbm.at[idx_v.at[pl.ds(g * C, C)]], rbuf, gsem)

        def drain_gather(rbuf, gsem):
            pltpu.make_async_copy(
                table_hbm.at[pl.ds(0, C)], rbuf, gsem).wait()

        def drain_store(obuf, ssem):
            pltpu.make_async_copy(
                obuf, out_hbm.at[0, :, pl.ds(0, C)], ssem).wait()

        def store_dst(g):
            return out_hbm.at[w_seq + lax.div(g, spc), :,
                              pl.ds(lax.rem(g, spc) * C, C)]

        iot = lax.iota(jnp.int32, L)
        dvs = [iot + k for k in range(0, D, L)]
        dvCs = [dv * C for dv in dvs]
        sbs = [iot + sb for sb in range(0, C, L)]

        def compute(g, rbuf, obuf):
            po = lax.rem(g, spc) * (C * D)

            @plsc.parallel_loop(0, C, unroll=4)
            def row_loop(r):
                for k in range(D // L):
                    sk = (dvs[k] + r) & (C - 1)
                    v = (rbuf[r, pl.ds(k * L, L)] * scale
                         + pe_v[pl.ds(po + r * D + k * L, L)])
                    plsc.store_scatter(tbuf, [dvCs[k] + sk], v)

            @plsc.parallel_loop(0, D, unroll=4)
            def d_loop(d):
                dC = d * C
                for sb in range(C // L):
                    sk = ((sbs[sb] + d) & (C - 1)) + dC
                    obuf[d, pl.ds(sb * L, L)] = plsc.load_gather(tbuf, [sk])

        fire_gather(0, r0, gs0)

        @pl.loop(0, n_chunks // 2)
        def pair_loop(gg):
            g = gg * 2
            fire_gather(g + 1, r1, gs1)
            drain_gather(r0, gs0)

            @pl.when(gg > 0)
            def _wait_store0():
                drain_store(o0, ss0)
            compute(g, r0, o0)
            pltpu.async_copy(o0, store_dst(g), ss0)

            @pl.when(gg + 1 < n_chunks // 2)
            def _fire_next():
                fire_gather(g + 2, r0, gs0)
            drain_gather(r1, gs1)

            @pl.when(gg > 0)
            def _wait_store1():
                drain_store(o1, ss1)
            compute(g + 1, r1, o1)
            pltpu.async_copy(o1, store_dst(g + 1), ss1)

        drain_store(o0, ss0)
        drain_store(o1, ss1)

    out = body(x1, table128, pe1)
    return out.transpose(0, 2, 1)

# --- scband reference (transcript-rebuilt; emitter-appended) ---
"""Pipeline reference for scband-input-embedding-18803366822465 (READ-ONLY COPY).

The authoritative reference and input builder live on the scoring server;
editing this copy changes nothing except your own understanding.
"""

import jax, jax.numpy as jnp
import numpy as np
import math

VOCAB = 100000
D_MODEL = 64
MAX_LEN = 512
B = 1024
S = 512

def _make_pe(max_len, d_model):
    position = np.arange(0, max_len, dtype=np.float32)[:, None]
    div_term = np.exp(np.arange(0, d_model, 2, dtype=np.float32) * (-math.log(10000.0) / d_model))
    pe = np.zeros((max_len, d_model), dtype=np.float32)
    pe[:, 0::2] = np.sin(position * div_term)
    pe[:, 1::2] = np.cos(position * div_term)
    return jnp.asarray(pe[None, :, :])  # [1, max_len, d_model]

def setup_inputs(seed: int = 0) -> dict:
    key = jax.random.key(seed)
    k1, k2 = jax.random.split(key)
    x = jax.random.randint(k1, (B, S), 0, VOCAB, dtype=jnp.int64 if jax.config.jax_enable_x64 else jnp.int32)
    table = jax.random.normal(k2, (VOCAB, D_MODEL), dtype=jnp.float32)
    pe = _make_pe(MAX_LEN, D_MODEL)
    return {"x": x, "table": table, "pe": pe}

def reference(x, table, pe):
    # TokenEmbedding: gather + scale by sqrt(d_model)
    emb = jnp.take(table, x, axis=0) * jnp.float32(math.sqrt(D_MODEL))
    # PositionalEncoding: add pe[:, :seq_len, :]; dropout p=0 -> identity
    seq_len = x.shape[1]
    out = emb + pe[:, :seq_len, :].astype(emb.dtype)
    return out

if __name__ == "__main__":
    import jax
    _d = setup_inputs()
    print(jax.jit(kernel)(*tuple(_d.values())))

</pallas_src>

<mosaic_0001>
#map = affine_map<(d0, d1) -> (0)>
#map1 = affine_map<(d0, d1) -> (0, 0)>
#map2 = affine_map<(d0, d1) -> (0, 0, 0)>
module attributes {stable_mosaic.version = 14 : i64} {
  func.func @_rewritten_body(%arg0: i32, %arg1: i32, %arg2: memref<524288xi32, #tpu.memory_space<hbm>>, %arg3: memref<100000x128xf32, #tpu.memory_space<hbm>>, %arg4: memref<32768xf32, #tpu.memory_space<hbm>>, %arg5: memref<1xf32, #tpu.memory_space<hbm>>, %arg6: memref<1024x64x512xf32, #tpu.memory_space<hbm>>, %arg7: memref<32768xf32, #tpu.memory_space<vmem>>, %arg8: memref<16384xi32, #tpu.memory_space<vmem>>, %arg9: memref<128x128xf32, #tpu.memory_space<vmem>>, %arg10: memref<128x128xf32, #tpu.memory_space<vmem>>, %arg11: memref<8192xf32, #tpu.memory_space<vmem>>, %arg12: memref<64x128xf32, #tpu.memory_space<vmem>>, %arg13: memref<64x128xf32, #tpu.memory_space<vmem>>, %arg14: memref<!tpu.dma_semaphore, #tpu.memory_space<semaphore_mem>>, %arg15: memref<!tpu.dma_semaphore, #tpu.memory_space<semaphore_mem>>, %arg16: memref<!tpu.dma_semaphore, #tpu.memory_space<semaphore_mem>>, %arg17: memref<!tpu.dma_semaphore, #tpu.memory_space<semaphore_mem>>) attributes {dimension_semantics = [#tpu.dimension_semantics<core_parallel>, #tpu.dimension_semantics<subcore_parallel>], iteration_bounds = array<i64: 2, 16>, scalar_prefetch = 0 : i64, scratch_operands = 11 : i64, tpu.core_type = #tpu.core_type<sc_vector_subcore>, window_params = [{transform_indices = #map}, {transform_indices = #map1}, {transform_indices = #map}, {transform_indices = #map}, {transform_indices = #map2}]} {
    %empty_ref3A = memref.alloca() : memref<16xf32, #tpu.memory_space<vmem>>
    "tpu.region"() ({
      %run_scoped3A = tpu.sem_alloc : memref<!tpu.dma_semaphore, #tpu.memory_space<semaphore_mem>>
      %dma_start3A_79 = arith.constant 0 : i32
      %dma_start3A_80 = tpu.memref_slice %empty_ref3A[%dma_start3A_79] : memref<16xf32, #tpu.memory_space<vmem>> -> memref<1xf32, #tpu.memory_space<vmem>>
      %dma_start3A_81 = arith.constant 0 : i32
      %dma_start3A_82 = tpu.memref_slice %empty_ref3A[%dma_start3A_81] : memref<16xf32, #tpu.memory_space<vmem>> -> memref<1xf32, #tpu.memory_space<vmem>>
      tpu.enqueue_dma source(%arg5 : memref<1xf32, #tpu.memory_space<hbm>>) target(%dma_start3A_82 : memref<1xf32, #tpu.memory_space<vmem>>) target_semaphore(%run_scoped3A : memref<!tpu.dma_semaphore, #tpu.memory_space<semaphore_mem>>)
      %dma_wait3A_83 = arith.constant 0 : i32
      %dma_wait3A_84 = tpu.memref_slice %empty_ref3A[%dma_wait3A_83] : memref<16xf32, #tpu.memory_space<vmem>> -> memref<1xf32, #tpu.memory_space<vmem>>
      %dma_wait3A_85 = arith.constant 0 : i32
      %dma_wait3A_86 = tpu.memref_slice %empty_ref3A[%dma_wait3A_85] : memref<16xf32, #tpu.memory_space<vmem>> -> memref<1xf32, #tpu.memory_space<vmem>>
      tpu.wait_dma2 semaphore(%run_scoped3A : memref<!tpu.dma_semaphore, #tpu.memory_space<semaphore_mem>>) src(%arg5 : memref<1xf32, #tpu.memory_space<hbm>>) dst(%dma_wait3A_86 : memref<1xf32, #tpu.memory_space<vmem>>)
      tpu.yield
    }) : () -> ()
    %get3A = arith.constant 0 : index
    %get3A_0 = tpu.vector_load %empty_ref3A[%get3A] {strides = array<i32>} : memref<16xf32, #tpu.memory_space<vmem>>, vector<16xf32>,
    %slice3A = vector.extract_strided_slice %get3A_0 {offsets = [0], sizes = [1], strides = [1]} : vector<16xf32> to vector<1xf32>
    %squeeze3A = vector.extract %slice3A[0] : f32 from vector<1xf32>
    %mul3A = arith.constant 2 : i32
    %mul3A_1 = arith.muli %arg1, %mul3A : i32
    %add3A = arith.addi %mul3A_1, %arg0 : i32
    %mul3A_2 = arith.constant 16384 : i32
    %mul3A_3 = arith.muli %add3A, %mul3A_2 : i32
    %mul3A_4 = arith.constant 32 : i32
    %mul3A_5 = arith.muli %add3A, %mul3A_4 : i32
    "tpu.region"() ({
      %run_scoped3A = tpu.sem_alloc : memref<!tpu.dma_semaphore, #tpu.memory_space<semaphore_mem>>
      tpu.enqueue_dma source(%arg4 : memref<32768xf32, #tpu.memory_space<hbm>>) target(%arg7 : memref<32768xf32, #tpu.memory_space<vmem>>) target_semaphore(%run_scoped3A : memref<!tpu.dma_semaphore, #tpu.memory_space<semaphore_mem>>)
      tpu.wait_dma2 semaphore(%run_scoped3A : memref<!tpu.dma_semaphore, #tpu.memory_space<semaphore_mem>>) src(%arg4 : memref<32768xf32, #tpu.memory_space<hbm>>) dst(%arg7 : memref<32768xf32, #tpu.memory_space<vmem>>)
      tpu.yield
    }) : () -> ()
    "tpu.region"() ({
      %run_scoped3A = tpu.sem_alloc : memref<!tpu.dma_semaphore, #tpu.memory_space<semaphore_mem>>
      %dma_start3A_79 = tpu.memref_slice %arg2[%mul3A_3] : memref<524288xi32, #tpu.memory_space<hbm>> -> memref<16384xi32, #tpu.memory_space<hbm>>
      %dma_start3A_80 = tpu.memref_slice %arg2[%mul3A_3] : memref<524288xi32, #tpu.memory_space<hbm>> -> memref<16384xi32, #tpu.memory_space<hbm>>
      tpu.enqueue_dma source(%dma_start3A_80 : memref<16384xi32, #tpu.memory_space<hbm>>) target(%arg8 : memref<16384xi32, #tpu.memory_space<vmem>>) target_semaphore(%run_scoped3A : memref<!tpu.dma_semaphore, #tpu.memory_space<semaphore_mem>>)
      %dma_wait3A_81 = tpu.memref_slice %arg2[%mul3A_3] : memref<524288xi32, #tpu.memory_space<hbm>> -> memref<16384xi32, #tpu.memory_space<hbm>>
      %dma_wait3A_82 = tpu.memref_slice %arg2[%mul3A_3] : memref<524288xi32, #tpu.memory_space<hbm>> -> memref<16384xi32, #tpu.memory_space<hbm>>
      tpu.wait_dma2 semaphore(%run_scoped3A : memref<!tpu.dma_semaphore, #tpu.memory_space<semaphore_mem>>) src(%dma_wait3A_82 : memref<16384xi32, #tpu.memory_space<hbm>>) dst(%arg8 : memref<16384xi32, #tpu.memory_space<vmem>>)
      tpu.yield
    }) : () -> ()
    %iota3A = tpu.iota {dimensions = array<i32: 0>} : vector<16xi32>
    %add3A_6 = arith.constant 0 : i32
    %add3A_7 = vector.broadcast %add3A_6 : i32 to vector<16xi32>
    %add3A_8 = arith.addi %iota3A, %add3A_7 : vector<16xi32>
    %add3A_9 = arith.constant 16 : i32
    %add3A_10 = vector.broadcast %add3A_9 : i32 to vector<16xi32>
    %add3A_11 = arith.addi %iota3A, %add3A_10 : vector<16xi32>
    %add3A_12 = arith.constant 32 : i32
    %add3A_13 = vector.broadcast %add3A_12 : i32 to vector<16xi32>
    %add3A_14 = arith.addi %iota3A, %add3A_13 : vector<16xi32>
    %add3A_15 = arith.constant 48 : i32
    %add3A_16 = vector.broadcast %add3A_15 : i32 to vector<16xi32>
    %add3A_17 = arith.addi %iota3A, %add3A_16 : vector<16xi32>
    %mul3A_18 = arith.constant 128 : i32
    %mul3A_19 = vector.broadcast %mul3A_18 : i32 to vector<16xi32>
    %mul3A_20 = arith.muli %add3A_8, %mul3A_19 : vector<16xi32>
    %mul3A_21 = arith.constant 128 : i32
    %mul3A_22 = vector.broadcast %mul3A_21 : i32 to vector<16xi32>
    %mul3A_23 = arith.muli %add3A_11, %mul3A_22 : vector<16xi32>
    %mul3A_24 = arith.constant 128 : i32
    %mul3A_25 = vector.broadcast %mul3A_24 : i32 to vector<16xi32>
    %mul3A_26 = arith.muli %add3A_14, %mul3A_25 : vector<16xi32>
    %mul3A_27 = arith.constant 128 : i32
    %mul3A_28 = vector.broadcast %mul3A_27 : i32 to vector<16xi32>
    %mul3A_29 = arith.muli %add3A_17, %mul3A_28 : vector<16xi32>
    %add3A_30 = arith.constant 0 : i32
    %add3A_31 = vector.broadcast %add3A_30 : i32 to vector<16xi32>
    %add3A_32 = arith.addi %iota3A, %add3A_31 : vector<16xi32>
    %add3A_33 = arith.constant 16 : i32
    %add3A_34 = vector.broadcast %add3A_33 : i32 to vector<16xi32>
    %add3A_35 = arith.addi %iota3A, %add3A_34 : vector<16xi32>
    %add3A_36 = arith.constant 32 : i32
    %add3A_37 = vector.broadcast %add3A_36 : i32 to vector<16xi32>
    %add3A_38 = arith.addi %iota3A, %add3A_37 : vector<16xi32>
    %add3A_39 = arith.constant 48 : i32
    %add3A_40 = vector.broadcast %add3A_39 : i32 to vector<16xi32>
    %add3A_41 = arith.addi %iota3A, %add3A_40 : vector<16xi32>
    %add3A_42 = arith.constant 64 : i32
    %add3A_43 = vector.broadcast %add3A_42 : i32 to vector<16xi32>
    %add3A_44 = arith.addi %iota3A, %add3A_43 : vector<16xi32>
    %add3A_45 = arith.constant 80 : i32
    %add3A_46 = vector.broadcast %add3A_45 : i32 to vector<16xi32>
    %add3A_47 = arith.addi %iota3A, %add3A_46 : vector<16xi32>
    %add3A_48 = arith.constant 96 : i32
    %add3A_49 = vector.broadcast %add3A_48 : i32 to vector<16xi32>
    %add3A_50 = arith.addi %iota3A, %add3A_49 : vector<16xi32>
    %add3A_51 = arith.constant 112 : i32
    %add3A_52 = vector.broadcast %add3A_51 : i32 to vector<16xi32>
    %add3A_53 = arith.addi %iota3A, %add3A_52 : vector<16xi32>
    %dma_start3A = arith.constant 0 : i32
    %dma_start3A_54 = tpu.memref_slice %arg8[%dma_start3A] : memref<16384xi32, #tpu.memory_space<vmem>> -> memref<128xi32, #tpu.memory_space<vmem>>
    %dma_start3A_55 = arith.constant 0 : i32
    %dma_start3A_56 = arith.constant 0 : i32
    %dma_start3A_57 = tpu.memref_slice %arg3[%dma_start3A_55, %dma_start3A_56] : memref<100000x128xf32, #tpu.memory_space<hbm>> -> memref<100000x128xf32, #tpu.memory_space<hbm>>
    tpu.enqueue_indirect_dma source(%dma_start3A_57 : memref<100000x128xf32, #tpu.memory_space<hbm>>) target(%arg9 : memref<128x128xf32, #tpu.memory_space<vmem>>) offsets(%dma_start3A_54 : memref<128xi32, #tpu.memory_space<vmem>>) semaphore(%arg14 : memref<!tpu.dma_semaphore, #tpu.memory_space<semaphore_mem>>)
    %scan3A = arith.constant 0 : i32
    %scan3A_58 = arith.constant 64 : i32
    %scan3A_59 = arith.addi %scan3A, %scan3A_58 : i32
    %scan3A_60 = arith.constant 1 : i32
    scf.for %scan3A_79 = %scan3A to %scan3A_59 step %scan3A_60  : i32 {
      %mul3A_80 = arith.constant 1 : i32
      %mul3A_81 = arith.muli %scan3A_79, %mul3A_80 : i32
      %add3A_82 = arith.constant 0 : i32
      %add3A_83 = arith.addi %add3A_82, %mul3A_81 : i32
      %mul3A_84 = arith.constant 2 : i32
      %mul3A_85 = arith.muli %add3A_83, %mul3A_84 : i32
      %add3A_86 = arith.constant 1 : i32
      %add3A_87 = arith.addi %mul3A_85, %add3A_86 : i32
      %mul3A_88 = arith.constant 128 : i32
      %mul3A_89 = arith.muli %add3A_87, %mul3A_88 : i32
      %dma_start3A_90 = tpu.memref_slice %arg8[%mul3A_89] : memref<16384xi32, #tpu.memory_space<vmem>> -> memref<128xi32, #tpu.memory_space<vmem>>
      %dma_start3A_91 = arith.constant 0 : i32
      %dma_start3A_92 = arith.constant 0 : i32
      %dma_start3A_93 = tpu.memref_slice %arg3[%dma_start3A_91, %dma_start3A_92] : memref<100000x128xf32, #tpu.memory_space<hbm>> -> memref<100000x128xf32, #tpu.memory_space<hbm>>
      tpu.enqueue_indirect_dma source(%dma_start3A_93 : memref<100000x128xf32, #tpu.memory_space<hbm>>) target(%arg10 : memref<128x128xf32, #tpu.memory_space<vmem>>) offsets(%dma_start3A_90 : memref<128xi32, #tpu.memory_space<vmem>>) semaphore(%arg15 : memref<!tpu.dma_semaphore, #tpu.memory_space<semaphore_mem>>)
      %dma_wait3A_94 = arith.constant 0 : i32
      %dma_wait3A_95 = arith.constant 0 : i32
      %dma_wait3A_96 = tpu.memref_slice %arg3[%dma_wait3A_94, %dma_wait3A_95] : memref<100000x128xf32, #tpu.memory_space<hbm>> -> memref<128x128xf32, #tpu.memory_space<hbm>>
      %dma_wait3A_97 = arith.constant 0 : i32
      %dma_wait3A_98 = arith.constant 0 : i32
      %dma_wait3A_99 = tpu.memref_slice %arg3[%dma_wait3A_97, %dma_wait3A_98] : memref<100000x128xf32, #tpu.memory_space<hbm>> -> memref<128x128xf32, #tpu.memory_space<hbm>>
      tpu.wait_dma2 semaphore(%arg14 : memref<!tpu.dma_semaphore, #tpu.memory_space<semaphore_mem>>) src(%dma_wait3A_99 : memref<128x128xf32, #tpu.memory_space<hbm>>) dst(%arg9 : memref<128x128xf32, #tpu.memory_space<vmem>>)
      %gt3A = arith.constant 0 : i32
      %gt3A_100 = arith.cmpi sgt, %add3A_83, %gt3A : i32
      %convert_element_type3A = arith.extui %gt3A_100 : i1 to i32
      %cond3A = arith.constant 0 : i32
      %cond3A_101 = arith.cmpi ne, %convert_element_type3A, %cond3A : i32
      scf.if %cond3A_101 {
        %dma_wait3A_166 = arith.constant 0 : i32
        %dma_wait3A_167 = arith.constant 0 : i32
        %dma_wait3A_168 = arith.constant 0 : i32
        %dma_wait3A_169 = tpu.memref_slice %arg6[%dma_wait3A_166, %dma_wait3A_167, %dma_wait3A_168] : memref<1024x64x512xf32, #tpu.memory_space<hbm>> -> memref<1x64x128xf32, #tpu.memory_space<hbm>>
        %dma_wait3A_170 = tpu.memref_squeeze %dma_wait3A_169 : memref<1x64x128xf32, #tpu.memory_space<hbm>> -> memref<64x128xf32, #tpu.memory_space<hbm>>
        %dma_wait3A_171 = arith.constant 0 : i32
        %dma_wait3A_172 = arith.constant 0 : i32
        %dma_wait3A_173 = tpu.memref_slice %arg6[%dma_wait3A_166, %dma_wait3A_171, %dma_wait3A_172] : memref<1024x64x512xf32, #tpu.memory_space<hbm>> -> memref<1x64x128xf32, #tpu.memory_space<hbm>>
        %dma_wait3A_174 = tpu.memref_squeeze %dma_wait3A_173 : memref<1x64x128xf32, #tpu.memory_space<hbm>> -> memref<64x128xf32, #tpu.memory_space<hbm>>
        tpu.wait_dma2 semaphore(%arg16 : memref<!tpu.dma_semaphore, #tpu.memory_space<semaphore_mem>>) src(%arg12 : memref<64x128xf32, #tpu.memory_space<vmem>>) dst(%dma_wait3A_174 : memref<64x128xf32, #tpu.memory_space<hbm>>)
      } else {
      }
      %rem3A = arith.constant 4 : i32
      %rem3A_102 = arith.remsi %mul3A_85, %rem3A : i32
      %mul3A_103 = arith.constant 8192 : i32
      %mul3A_104 = arith.muli %rem3A_102, %mul3A_103 : i32
      %parallel_loop3A = arith.constant 0 : i32
      %parallel_loop3A_105 = arith.constant 128 : i32
      %parallel_loop3A_106 = arith.constant 1 : i32
      scf.for %parallel_loop3A_166 = %parallel_loop3A to %parallel_loop3A_105 step %parallel_loop3A_106  : i32 {
        %parallel_loop3A_167 = vector.broadcast %parallel_loop3A_166 : i32 to vector<16xi32>
        %parallel_loop3A_168 = arith.addi %add3A_8, %parallel_loop3A_167 : vector<16xi32>
        %parallel_loop3A_169 = arith.constant 127 : i32
        %parallel_loop3A_170 = vector.broadcast %parallel_loop3A_169 : i32 to vector<16xi32>
        %parallel_loop3A_171 = arith.andi %parallel_loop3A_168, %parallel_loop3A_170 : vector<16xi32>
        %parallel_loop3A_172 = arith.index_cast %parallel_loop3A_166 : i32 to index
        %parallel_loop3A_173 = arith.constant 0 : index
        %parallel_loop3A_174 = tpu.vector_load %arg9[%parallel_loop3A_172, %parallel_loop3A_173] {strides = array<i32>} : memref<128x128xf32, #tpu.memory_space<vmem>>, vector<16xf32>,
        %parallel_loop3A_175 = vector.broadcast %squeeze3A : f32 to vector<16xf32>
        %parallel_loop3A_176 = arith.mulf %parallel_loop3A_174, %parallel_loop3A_175 : vector<16xf32>
        %parallel_loop3A_177 = arith.constant 64 : i32
        %parallel_loop3A_178 = arith.muli %parallel_loop3A_166, %parallel_loop3A_177 : i32
        %parallel_loop3A_179 = arith.addi %mul3A_104, %parallel_loop3A_178 : i32
        %parallel_loop3A_180 = arith.constant 0 : i32
        %parallel_loop3A_181 = arith.addi %parallel_loop3A_179, %parallel_loop3A_180 : i32
        %parallel_loop3A_182 = arith.index_cast %parallel_loop3A_181 : i32 to index
        %parallel_loop3A_183 = tpu.vector_load %arg7[%parallel_loop3A_182] {strides = array<i32>} : memref<32768xf32, #tpu.memory_space<vmem>>, vector<16xf32>,
        %parallel_loop3A_184 = arith.addf %parallel_loop3A_176, %parallel_loop3A_183 : vector<16xf32>
        %parallel_loop3A_185 = arith.addi %mul3A_20, %parallel_loop3A_171 : vector<16xi32>
        tpu.vector_store_idx %arg11[%parallel_loop3A_185], %parallel_loop3A_184 : memref<8192xf32, #tpu.memory_space<vmem>>[vector<16xi32>], vector<16xf32>,
        %parallel_loop3A_186 = vector.broadcast %parallel_loop3A_166 : i32 to vector<16xi32>
        %parallel_loop3A_187 = arith.addi %add3A_11, %parallel_loop3A_186 : vector<16xi32>
        %parallel_loop3A_188 = arith.constant 127 : i32
        %parallel_loop3A_189 = vector.broadcast %parallel_loop3A_188 : i32 to vector<16xi32>
        %parallel_loop3A_190 = arith.andi %parallel_loop3A_187, %parallel_loop3A_189 : vector<16xi32>
        %parallel_loop3A_191 = arith.index_cast %parallel_loop3A_166 : i32 to index
        %parallel_loop3A_192 = arith.constant 16 : index
        %parallel_loop3A_193 = tpu.vector_load %arg9[%parallel_loop3A_191, %parallel_loop3A_192] {strides = array<i32>} : memref<128x128xf32, #tpu.memory_space<vmem>>, vector<16xf32>,
        %parallel_loop3A_194 = vector.broadcast %squeeze3A : f32 to vector<16xf32>
        %parallel_loop3A_195 = arith.mulf %parallel_loop3A_193, %parallel_loop3A_194 : vector<16xf32>
        %parallel_loop3A_196 = arith.constant 64 : i32
        %parallel_loop3A_197 = arith.muli %parallel_loop3A_166, %parallel_loop3A_196 : i32
        %parallel_loop3A_198 = arith.addi %mul3A_104, %parallel_loop3A_197 : i32
        %parallel_loop3A_199 = arith.constant 16 : i32
        %parallel_loop3A_200 = arith.addi %parallel_loop3A_198, %parallel_loop3A_199 : i32
        %parallel_loop3A_201 = arith.index_cast %parallel_loop3A_200 : i32 to index
        %parallel_loop3A_202 = tpu.vector_load %arg7[%parallel_loop3A_201] {strides = array<i32>} : memref<32768xf32, #tpu.memory_space<vmem>>, vector<16xf32>,
        %parallel_loop3A_203 = arith.addf %parallel_loop3A_195, %parallel_loop3A_202 : vector<16xf32>
        %parallel_loop3A_204 = arith.addi %mul3A_23, %parallel_loop3A_190 : vector<16xi32>
        tpu.vector_store_idx %arg11[%parallel_loop3A_204], %parallel_loop3A_203 : memref<8192xf32, #tpu.memory_space<vmem>>[vector<16xi32>], vector<16xf32>,
        %parallel_loop3A_205 = vector.broadcast %parallel_loop3A_166 : i32 to vector<16xi32>
        %parallel_loop3A_206 = arith.addi %add3A_14, %parallel_loop3A_205 : vector<16xi32>
        %parallel_loop3A_207 = arith.constant 127 : i32
        %parallel_loop3A_208 = vector.broadcast %parallel_loop3A_207 : i32 to vector<16xi32>
        %parallel_loop3A_209 = arith.andi %parallel_loop3A_206, %parallel_loop3A_208 : vector<16xi32>
        %parallel_loop3A_210 = arith.index_cast %parallel_loop3A_166 : i32 to index
        %parallel_loop3A_211 = arith.constant 32 : index
        %parallel_loop3A_212 = tpu.vector_load %arg9[%parallel_loop3A_210, %parallel_loop3A_211] {strides = array<i32>} : memref<128x128xf32, #tpu.memory_space<vmem>>, vector<16xf32>,
        %parallel_loop3A_213 = vector.broadcast %squeeze3A : f32 to vector<16xf32>
        %parallel_loop3A_214 = arith.mulf %parallel_loop3A_212, %parallel_loop3A_213 : vector<16xf32>
        %parallel_loop3A_215 = arith.constant 64 : i32
        %parallel_loop3A_216 = arith.muli %parallel_loop3A_166, %parallel_loop3A_215 : i32
        %parallel_loop3A_217 = arith.addi %mul3A_104, %parallel_loop3A_216 : i32
        %parallel_loop3A_218 = arith.constant 32 : i32
        %parallel_loop3A_219 = arith.addi %parallel_loop3A_217, %parallel_loop3A_218 : i32
        %parallel_loop3A_220 = arith.index_cast %parallel_loop3A_219 : i32 to index
        %parallel_loop3A_221 = tpu.vector_load %arg7[%parallel_loop3A_220] {strides = array<i32>} : memref<32768xf32, #tpu.memory_space<vmem>>, vector<16xf32>,
        %parallel_loop3A_222 = arith.addf %parallel_loop3A_214, %parallel_loop3A_221 : vector<16xf32>
        %parallel_loop3A_223 = arith.addi %mul3A_26, %parallel_loop3A_209 : vector<16xi32>
        tpu.vector_store_idx %arg11[%parallel_loop3A_223], %parallel_loop3A_222 : memref<8192xf32, #tpu.memory_space<vmem>>[vector<16xi32>], vector<16xf32>,
        %parallel_loop3A_224 = vector.broadcast %parallel_loop3A_166 : i32 to vector<16xi32>
        %parallel_loop3A_225 = arith.addi %add3A_17, %parallel_loop3A_224 : vector<16xi32>
        %parallel_loop3A_226 = arith.constant 127 : i32
        %parallel_loop3A_227 = vector.broadcast %parallel_loop3A_226 : i32 to vector<16xi32>
        %parallel_loop3A_228 = arith.andi %parallel_loop3A_225, %parallel_loop3A_227 : vector<16xi32>
        %parallel_loop3A_229 = arith.index_cast %parallel_loop3A_166 : i32 to index
        %parallel_loop3A_230 = arith.constant 48 : index
        %parallel_loop3A_231 = tpu.vector_load %arg9[%parallel_loop3A_229, %parallel_loop3A_230] {strides = array<i32>} : memref<128x128xf32, #tpu.memory_space<vmem>>, vector<16xf32>,
        %parallel_loop3A_232 = vector.broadcast %squeeze3A : f32 to vector<16xf32>
        %parallel_loop3A_233 = arith.mulf %parallel_loop3A_231, %parallel_loop3A_232 : vector<16xf32>
        %parallel_loop3A_234 = arith.constant 64 : i32
        %parallel_loop3A_235 = arith.muli %parallel_loop3A_166, %parallel_loop3A_234 : i32
        %parallel_loop3A_236 = arith.addi %mul3A_104, %parallel_loop3A_235 : i32
        %parallel_loop3A_237 = arith.constant 48 : i32
        %parallel_loop3A_238 = arith.addi %parallel_loop3A_236, %parallel_loop3A_237 : i32
        %parallel_loop3A_239 = arith.index_cast %parallel_loop3A_238 : i32 to index
        %parallel_loop3A_240 = tpu.vector_load %arg7[%parallel_loop3A_239] {strides = array<i32>} : memref<32768xf32, #tpu.memory_space<vmem>>, vector<16xf32>,
        %parallel_loop3A_241 = arith.addf %parallel_loop3A_233, %parallel_loop3A_240 : vector<16xf32>
        %parallel_loop3A_242 = arith.addi %mul3A_29, %parallel_loop3A_228 : vector<16xi32>
        tpu.vector_store_idx %arg11[%parallel_loop3A_242], %parallel_loop3A_241 : memref<8192xf32, #tpu.memory_space<vmem>>[vector<16xi32>], vector<16xf32>,
      } {sc.loop_unroll_factor = 4 : i64, sc.parallel_access}
      %parallel_loop3A_107 = arith.constant 0 : i32
      %parallel_loop3A_108 = arith.constant 64 : i32
      %parallel_loop3A_109 = arith.constant 1 : i32
      scf.for %parallel_loop3A_166 = %parallel_loop3A_107 to %parallel_loop3A_108 step %parallel_loop3A_109  : i32 {
        %parallel_loop3A_167 = arith.constant 128 : i32
        %parallel_loop3A_168 = arith.muli %parallel_loop3A_166, %parallel_loop3A_167 : i32
        %parallel_loop3A_169 = vector.broadcast %parallel_loop3A_166 : i32 to vector<16xi32>
        %parallel_loop3A_170 = arith.addi %add3A_32, %parallel_loop3A_169 : vector<16xi32>
        %parallel_loop3A_171 = arith.constant 127 : i32
        %parallel_loop3A_172 = vector.broadcast %parallel_loop3A_171 : i32 to vector<16xi32>
        %parallel_loop3A_173 = arith.andi %parallel_loop3A_170, %parallel_loop3A_172 : vector<16xi32>
        %parallel_loop3A_174 = vector.broadcast %parallel_loop3A_168 : i32 to vector<16xi32>
        %parallel_loop3A_175 = arith.addi %parallel_loop3A_173, %parallel_loop3A_174 : vector<16xi32>
        %parallel_loop3A_176 = tpu.vector_load_idx %arg11[%parallel_loop3A_175] : memref<8192xf32, #tpu.memory_space<vmem>>[vector<16xi32>], vector<16xf32>,
        %parallel_loop3A_177 = arith.index_cast %parallel_loop3A_166 : i32 to index
        %parallel_loop3A_178 = arith.constant 0 : index
        %parallel_loop3A_179 = tpu.vector_load %arg12[%parallel_loop3A_177, %parallel_loop3A_178] {strides = array<i32>} : memref<64x128xf32, #tpu.memory_space<vmem>>, vector<16xf32>,
        tpu.vector_store %arg12[%parallel_loop3A_177, %parallel_loop3A_178], %parallel_loop3A_176 {strides = array<i32>} : memref<64x128xf32, #tpu.memory_space<vmem>>, vector<16xf32>,
        %parallel_loop3A_180 = vector.broadcast %parallel_loop3A_166 : i32 to vector<16xi32>
        %parallel_loop3A_181 = arith.addi %add3A_35, %parallel_loop3A_180 : vector<16xi32>
        %parallel_loop3A_182 = arith.constant 127 : i32
        %parallel_loop3A_183 = vector.broadcast %parallel_loop3A_182 : i32 to vector<16xi32>
        %parallel_loop3A_184 = arith.andi %parallel_loop3A_181, %parallel_loop3A_183 : vector<16xi32>
        %parallel_loop3A_185 = vector.broadcast %parallel_loop3A_168 : i32 to vector<16xi32>
        %parallel_loop3A_186 = arith.addi %parallel_loop3A_184, %parallel_loop3A_185 : vector<16xi32>
        %parallel_loop3A_187 = tpu.vector_load_idx %arg11[%parallel_loop3A_186] : memref<8192xf32, #tpu.memory_space<vmem>>[vector<16xi32>], vector<16xf32>,
        %parallel_loop3A_188 = arith.index_cast %parallel_loop3A_166 : i32 to index
        %parallel_loop3A_189 = arith.constant 16 : index
        %parallel_loop3A_190 = tpu.vector_load %arg12[%parallel_loop3A_188, %parallel_loop3A_189] {strides = array<i32>} : memref<64x128xf32, #tpu.memory_space<vmem>>, vector<16xf32>,
        tpu.vector_store %arg12[%parallel_loop3A_188, %parallel_loop3A_189], %parallel_loop3A_187 {strides = array<i32>} : memref<64x128xf32, #tpu.memory_space<vmem>>, vector<16xf32>,
        %parallel_loop3A_191 = vector.broadcast %parallel_loop3A_166 : i32 to vector<16xi32>
        %parallel_loop3A_192 = arith.addi %add3A_38, %parallel_loop3A_191 : vector<16xi32>
        %parallel_loop3A_193 = arith.constant 127 : i32
        %parallel_loop3A_194 = vector.broadcast %parallel_loop3A_193 : i32 to vector<16xi32>
        %parallel_loop3A_195 = arith.andi %parallel_loop3A_192, %parallel_loop3A_194 : vector<16xi32>
        %parallel_loop3A_196 = vector.broadcast %parallel_loop3A_168 : i32 to vector<16xi32>
        %parallel_loop3A_197 = arith.addi %parallel_loop3A_195, %parallel_loop3A_196 : vector<16xi32>
        %parallel_loop3A_198 = tpu.vector_load_idx %arg11[%parallel_loop3A_197] : memref<8192xf32, #tpu.memory_space<vmem>>[vector<16xi32>], vector<16xf32>,
        %parallel_loop3A_199 = arith.index_cast %parallel_loop3A_166 : i32 to index
        %parallel_loop3A_200 = arith.constant 32 : index
        %parallel_loop3A_201 = tpu.vector_load %arg12[%parallel_loop3A_199, %parallel_loop3A_200] {strides = array<i32>} : memref<64x128xf32, #tpu.memory_space<vmem>>, vector<16xf32>,
        tpu.vector_store %arg12[%parallel_loop3A_199, %parallel_loop3A_200], %parallel_loop3A_198 {strides = array<i32>} : memref<64x128xf32, #tpu.memory_space<vmem>>, vector<16xf32>,
        %parallel_loop3A_202 = vector.broadcast %parallel_loop3A_166 : i32 to vector<16xi32>
        %parallel_loop3A_203 = arith.addi %add3A_41, %parallel_loop3A_202 : vector<16xi32>
        %parallel_loop3A_204 = arith.constant 127 : i32
        %parallel_loop3A_205 = vector.broadcast %parallel_loop3A_204 : i32 to vector<16xi32>
        %parallel_loop3A_206 = arith.andi %parallel_loop3A_203, %parallel_loop3A_205 : vector<16xi32>
        %parallel_loop3A_207 = vector.broadcast %parallel_loop3A_168 : i32 to vector<16xi32>
        %parallel_loop3A_208 = arith.addi %parallel_loop3A_206, %parallel_loop3A_207 : vector<16xi32>
        %parallel_loop3A_209 = tpu.vector_load_idx %arg11[%parallel_loop3A_208] : memref<8192xf32, #tpu.memory_space<vmem>>[vector<16xi32>], vector<16xf32>,
        %parallel_loop3A_210 = arith.index_cast %parallel_loop3A_166 : i32 to index
        %parallel_loop3A_211 = arith.constant 48 : index
        %parallel_loop3A_212 = tpu.vector_load %arg12[%parallel_loop3A_210, %parallel_loop3A_211] {strides = array<i32>} : memref<64x128xf32, #tpu.memory_space<vmem>>, vector<16xf32>,
        tpu.vector_store %arg12[%parallel_loop3A_210, %parallel_loop3A_211], %parallel_loop3A_209 {strides = array<i32>} : memref<64x128xf32, #tpu.memory_space<vmem>>, vector<16xf32>,
        %parallel_loop3A_213 = vector.broadcast %parallel_loop3A_166 : i32 to vector<16xi32>
        %parallel_loop3A_214 = arith.addi %add3A_44, %parallel_loop3A_213 : vector<16xi32>
        %parallel_loop3A_215 = arith.constant 127 : i32
        %parallel_loop3A_216 = vector.broadcast %parallel_loop3A_215 : i32 to vector<16xi32>
        %parallel_loop3A_217 = arith.andi %parallel_loop3A_214, %parallel_loop3A_216 : vector<16xi32>
        %parallel_loop3A_218 = vector.broadcast %parallel_loop3A_168 : i32 to vector<16xi32>
        %parallel_loop3A_219 = arith.addi %parallel_loop3A_217, %parallel_loop3A_218 : vector<16xi32>
        %parallel_loop3A_220 = tpu.vector_load_idx %arg11[%parallel_loop3A_219] : memref<8192xf32, #tpu.memory_space<vmem>>[vector<16xi32>], vector<16xf32>,
        %parallel_loop3A_221 = arith.index_cast %parallel_loop3A_166 : i32 to index
        %parallel_loop3A_222 = arith.constant 64 : index
        %parallel_loop3A_223 = tpu.vector_load %arg12[%parallel_loop3A_221, %parallel_loop3A_222] {strides = array<i32>} : memref<64x128xf32, #tpu.memory_space<vmem>>, vector<16xf32>,
        tpu.vector_store %arg12[%parallel_loop3A_221, %parallel_loop3A_222], %parallel_loop3A_220 {strides = array<i32>} : memref<64x128xf32, #tpu.memory_space<vmem>>, vector<16xf32>,
        %parallel_loop3A_224 = vector.broadcast %parallel_loop3A_166 : i32 to vector<16xi32>
        %parallel_loop3A_225 = arith.addi %add3A_47, %parallel_loop3A_224 : vector<16xi32>
        %parallel_loop3A_226 = arith.constant 127 : i32
        %parallel_loop3A_227 = vector.broadcast %parallel_loop3A_226 : i32 to vector<16xi32>
        %parallel_loop3A_228 = arith.andi %parallel_loop3A_225, %parallel_loop3A_227 : vector<16xi32>
        %parallel_loop3A_229 = vector.broadcast %parallel_loop3A_168 : i32 to vector<16xi32>
        %parallel_loop3A_230 = arith.addi %parallel_loop3A_228, %parallel_loop3A_229 : vector<16xi32>
        %parallel_loop3A_231 = tpu.vector_load_idx %arg11[%parallel_loop3A_230] : memref<8192xf32, #tpu.memory_space<vmem>>[vector<16xi32>], vector<16xf32>,
        %parallel_loop3A_232 = arith.index_cast %parallel_loop3A_166 : i32 to index
        %parallel_loop3A_233 = arith.constant 80 : index
        %parallel_loop3A_234 = tpu.vector_load %arg12[%parallel_loop3A_232, %parallel_loop3A_233] {strides = array<i32>} : memref<64x128xf32, #tpu.memory_space<vmem>>, vector<16xf32>,
        tpu.vector_store %arg12[%parallel_loop3A_232, %parallel_loop3A_233], %parallel_loop3A_231 {strides = array<i32>} : memref<64x128xf32, #tpu.memory_space<vmem>>, vector<16xf32>,
        %parallel_loop3A_235 = vector.broadcast %parallel_loop3A_166 : i32 to vector<16xi32>
        %parallel_loop3A_236 = arith.addi %add3A_50, %parallel_loop3A_235 : vector<16xi32>
        %parallel_loop3A_237 = arith.constant 127 : i32
        %parallel_loop3A_238 = vector.broadcast %parallel_loop3A_237 : i32 to vector<16xi32>
        %parallel_loop3A_239 = arith.andi %parallel_loop3A_236, %parallel_loop3A_238 : vector<16xi32>
        %parallel_loop3A_240 = vector.broadcast %parallel_loop3A_168 : i32 to vector<16xi32>
        %parallel_loop3A_241 = arith.addi %parallel_loop3A_239, %parallel_loop3A_240 : vector<16xi32>
        %parallel_loop3A_242 = tpu.vector_load_idx %arg11[%parallel_loop3A_241] : memref<8192xf32, #tpu.memory_space<vmem>>[vector<16xi32>], vector<16xf32>,
        %parallel_loop3A_243 = arith.index_cast %parallel_loop3A_166 : i32 to index
        %parallel_loop3A_244 = arith.constant 96 : index
        %parallel_loop3A_245 = tpu.vector_load %arg12[%parallel_loop3A_243, %parallel_loop3A_244] {strides = array<i32>} : memref<64x128xf32, #tpu.memory_space<vmem>>, vector<16xf32>,
        tpu.vector_store %arg12[%parallel_loop3A_243, %parallel_loop3A_244], %parallel_loop3A_242 {strides = array<i32>} : memref<64x128xf32, #tpu.memory_space<vmem>>, vector<16xf32>,
        %parallel_loop3A_246 = vector.broadcast %parallel_loop3A_166 : i32 to vector<16xi32>
        %parallel_loop3A_247 = arith.addi %add3A_53, %parallel_loop3A_246 : vector<16xi32>
        %parallel_loop3A_248 = arith.constant 127 : i32
        %parallel_loop3A_249 = vector.broadcast %parallel_loop3A_248 : i32 to vector<16xi32>
        %parallel_loop3A_250 = arith.andi %parallel_loop3A_247, %parallel_loop3A_249 : vector<16xi32>
        %parallel_loop3A_251 = vector.broadcast %parallel_loop3A_168 : i32 to vector<16xi32>
        %parallel_loop3A_252 = arith.addi %parallel_loop3A_250, %parallel_loop3A_251 : vector<16xi32>
        %parallel_loop3A_253 = tpu.vector_load_idx %arg11[%parallel_loop3A_252] : memref<8192xf32, #tpu.memory_space<vmem>>[vector<16xi32>], vector<16xf32>,
        %parallel_loop3A_254 = arith.index_cast %parallel_loop3A_166 : i32 to index
        %parallel_loop3A_255 = arith.constant 112 : index
        %parallel_loop3A_256 = tpu.vector_load %arg12[%parallel_loop3A_254, %parallel_loop3A_255] {strides = array<i32>} : memref<64x128xf32, #tpu.memory_space<vmem>>, vector<16xf32>,
        tpu.vector_store %arg12[%parallel_loop3A_254, %parallel_loop3A_255], %parallel_loop3A_253 {strides = array<i32>} : memref<64x128xf32, #tpu.memory_space<vmem>>, vector<16xf32>,
      } {sc.loop_unroll_factor = 4 : i64, sc.parallel_access}
      %div3A = arith.constant 4 : i32
      %div3A_110 = arith.divsi %mul3A_85, %div3A : i32
      %add3A_111 = arith.addi %mul3A_5, %div3A_110 : i32
      %rem3A_112 = arith.constant 4 : i32
      %rem3A_113 = arith.remsi %mul3A_85, %rem3A_112 : i32
      %mul3A_114 = arith.constant 128 : i32
      %mul3A_115 = arith.muli %rem3A_113, %mul3A_114 : i32
      %dma_start3A_116 = arith.constant 0 : i32
      %dma_start3A_117 = tpu.memref_slice %arg6[%add3A_111, %dma_start3A_116, %mul3A_115] : memref<1024x64x512xf32, #tpu.memory_space<hbm>> -> memref<1x64x128xf32, #tpu.memory_space<hbm>>
      %dma_start3A_118 = tpu.memref_squeeze %dma_start3A_117 : memref<1x64x128xf32, #tpu.memory_space<hbm>> -> memref<64x128xf32, #tpu.memory_space<hbm>>
      %dma_start3A_119 = arith.constant 0 : i32
      %dma_start3A_120 = tpu.memref_slice %arg6[%add3A_111, %dma_start3A_119, %mul3A_115] : memref<1024x64x512xf32, #tpu.memory_space<hbm>> -> memref<1x64x128xf32, #tpu.memory_space<hbm>>
      %dma_start3A_121 = tpu.memref_squeeze %dma_start3A_120 : memref<1x64x128xf32, #tpu.memory_space<hbm>> -> memref<64x128xf32, #tpu.memory_space<hbm>>
      tpu.enqueue_dma source(%arg12 : memref<64x128xf32, #tpu.memory_space<vmem>>) target(%dma_start3A_121 : memref<64x128xf32, #tpu.memory_space<hbm>>) target_semaphore(%arg16 : memref<!tpu.dma_semaphore, #tpu.memory_space<semaphore_mem>>)
      %add3A_122 = arith.constant 1 : i32
      %add3A_123 = arith.addi %add3A_83, %add3A_122 : i32
      %lt3A = arith.constant 64 : i32
      %lt3A_124 = arith.cmpi slt, %add3A_123, %lt3A : i32
      %convert_element_type3A_125 = arith.extui %lt3A_124 : i1 to i32
      %cond3A_126 = arith.constant 0 : i32
      %cond3A_127 = arith.cmpi ne, %convert_element_type3A_125, %cond3A_126 : i32
      scf.if %cond3A_127 {
        %add3A_166 = arith.constant 2 : i32
        %add3A_167 = arith.addi %mul3A_85, %add3A_166 : i32
        %mul3A_168 = arith.constant 128 : i32
        %mul3A_169 = arith.muli %add3A_167, %mul3A_168 : i32
        %dma_start3A_170 = tpu.memref_slice %arg8[%mul3A_169] : memref<16384xi32, #tpu.memory_space<vmem>> -> memref<128xi32, #tpu.memory_space<vmem>>
        %dma_start3A_171 = arith.constant 0 : i32
        %dma_start3A_172 = arith.constant 0 : i32
        %dma_start3A_173 = tpu.memref_slice %arg3[%dma_start3A_171, %dma_start3A_172] : memref<100000x128xf32, #tpu.memory_space<hbm>> -> memref<100000x128xf32, #tpu.memory_space<hbm>>
        tpu.enqueue_indirect_dma source(%dma_start3A_173 : memref<100000x128xf32, #tpu.memory_space<hbm>>) target(%arg9 : memref<128x128xf32, #tpu.memory_space<vmem>>) offsets(%dma_start3A_170 : memref<128xi32, #tpu.memory_space<vmem>>) semaphore(%arg14 : memref<!tpu.dma_semaphore, #tpu.memory_space<semaphore_mem>>)
      } else {
      }
      %dma_wait3A_128 = arith.constant 0 : i32
      %dma_wait3A_129 = arith.constant 0 : i32
      %dma_wait3A_130 = tpu.memref_slice %arg3[%dma_wait3A_128, %dma_wait3A_129] : memref<100000x128xf32, #tpu.memory_space<hbm>> -> memref<128x128xf32, #tpu.memory_space<hbm>>
      %dma_wait3A_131 = arith.constant 0 : i32
      %dma_wait3A_132 = arith.constant 0 : i32
      %dma_wait3A_133 = tpu.memref_slice %arg3[%dma_wait3A_131, %dma_wait3A_132] : memref<100000x128xf32, #tpu.memory_space<hbm>> -> memref<128x128xf32, #tpu.memory_space<hbm>>
      tpu.wait_dma2 semaphore(%arg15 : memref<!tpu.dma_semaphore, #tpu.memory_space<semaphore_mem>>) src(%dma_wait3A_133 : memref<128x128xf32, #tpu.memory_space<hbm>>) dst(%arg10 : memref<128x128xf32, #tpu.memory_space<vmem>>)
      %gt3A_134 = arith.constant 0 : i32
      %gt3A_135 = arith.cmpi sgt, %add3A_83, %gt3A_134 : i32
      %convert_element_type3A_136 = arith.extui %gt3A_135 : i1 to i32
      %cond3A_137 = arith.constant 0 : i32
      %cond3A_138 = arith.cmpi ne, %convert_element_type3A_136, %cond3A_137 : i32
      scf.if %cond3A_138 {
        %dma_wait3A_166 = arith.constant 0 : i32
        %dma_wait3A_167 = arith.constant 0 : i32
        %dma_wait3A_168 = arith.constant 0 : i32
        %dma_wait3A_169 = tpu.memref_slice %arg6[%dma_wait3A_166, %dma_wait3A_167, %dma_wait3A_168] : memref<1024x64x512xf32, #tpu.memory_space<hbm>> -> memref<1x64x128xf32, #tpu.memory_space<hbm>>
        %dma_wait3A_170 = tpu.memref_squeeze %dma_wait3A_169 : memref<1x64x128xf32, #tpu.memory_space<hbm>> -> memref<64x128xf32, #tpu.memory_space<hbm>>
        %dma_wait3A_171 = arith.constant 0 : i32
        %dma_wait3A_172 = arith.constant 0 : i32
        %dma_wait3A_173 = tpu.memref_slice %arg6[%dma_wait3A_166, %dma_wait3A_171, %dma_wait3A_172] : memref<1024x64x512xf32, #tpu.memory_space<hbm>> -> memref<1x64x128xf32, #tpu.memory_space<hbm>>
        %dma_wait3A_174 = tpu.memref_squeeze %dma_wait3A_173 : memref<1x64x128xf32, #tpu.memory_space<hbm>> -> memref<64x128xf32, #tpu.memory_space<hbm>>
        tpu.wait_dma2 semaphore(%arg17 : memref<!tpu.dma_semaphore, #tpu.memory_space<semaphore_mem>>) src(%arg13 : memref<64x128xf32, #tpu.memory_space<vmem>>) dst(%dma_wait3A_174 : memref<64x128xf32, #tpu.memory_space<hbm>>)
      } else {
      }
      %add3A_139 = arith.constant 1 : i32
      %add3A_140 = arith.addi %mul3A_85, %add3A_139 : i32
      %rem3A_141 = arith.constant 4 : i32
      %rem3A_142 = arith.remsi %add3A_140, %rem3A_141 : i32
      %mul3A_143 = arith.constant 8192 : i32
      %mul3A_144 = arith.muli %rem3A_142, %mul3A_143 : i32
      %parallel_loop3A_145 = arith.constant 0 : i32
      %parallel_loop3A_146 = arith.constant 128 : i32
      %parallel_loop3A_147 = arith.constant 1 : i32
      scf.for %parallel_loop3A_166 = %parallel_loop3A_145 to %parallel_loop3A_146 step %parallel_loop3A_147  : i32 {
        %parallel_loop3A_167 = vector.broadcast %parallel_loop3A_166 : i32 to vector<16xi32>
        %parallel_loop3A_168 = arith.addi %add3A_8, %parallel_loop3A_167 : vector<16xi32>
        %parallel_loop3A_169 = arith.constant 127 : i32
        %parallel_loop3A_170 = vector.broadcast %parallel_loop3A_169 : i32 to vector<16xi32>
        %parallel_loop3A_171 = arith.andi %parallel_loop3A_168, %parallel_loop3A_170 : vector<16xi32>
        %parallel_loop3A_172 = arith.index_cast %parallel_loop3A_166 : i32 to index
        %parallel_loop3A_173 = arith.constant 0 : index
        %parallel_loop3A_174 = tpu.vector_load %arg10[%parallel_loop3A_172, %parallel_loop3A_173] {strides = array<i32>} : memref<128x128xf32, #tpu.memory_space<vmem>>, vector<16xf32>,
        %parallel_loop3A_175 = vector.broadcast %squeeze3A : f32 to vector<16xf32>
        %parallel_loop3A_176 = arith.mulf %parallel_loop3A_174, %parallel_loop3A_175 : vector<16xf32>
        %parallel_loop3A_177 = arith.constant 64 : i32
        %parallel_loop3A_178 = arith.muli %parallel_loop3A_166, %parallel_loop3A_177 : i32
        %parallel_loop3A_179 = arith.addi %mul3A_144, %parallel_loop3A_178 : i32
        %parallel_loop3A_180 = arith.constant 0 : i32
        %parallel_loop3A_181 = arith.addi %parallel_loop3A_179, %parallel_loop3A_180 : i32
        %parallel_loop3A_182 = arith.index_cast %parallel_loop3A_181 : i32 to index
        %parallel_loop3A_183 = tpu.vector_load %arg7[%parallel_loop3A_182] {strides = array<i32>} : memref<32768xf32, #tpu.memory_space<vmem>>, vector<16xf32>,
        %parallel_loop3A_184 = arith.addf %parallel_loop3A_176, %parallel_loop3A_183 : vector<16xf32>
        %parallel_loop3A_185 = arith.addi %mul3A_20, %parallel_loop3A_171 : vector<16xi32>
        tpu.vector_store_idx %arg11[%parallel_loop3A_185], %parallel_loop3A_184 : memref<8192xf32, #tpu.memory_space<vmem>>[vector<16xi32>], vector<16xf32>,
        %parallel_loop3A_186 = vector.broadcast %parallel_loop3A_166 : i32 to vector<16xi32>
        %parallel_loop3A_187 = arith.addi %add3A_11, %parallel_loop3A_186 : vector<16xi32>
        %parallel_loop3A_188 = arith.constant 127 : i32
        %parallel_loop3A_189 = vector.broadcast %parallel_loop3A_188 : i32 to vector<16xi32>
        %parallel_loop3A_190 = arith.andi %parallel_loop3A_187, %parallel_loop3A_189 : vector<16xi32>
        %parallel_loop3A_191 = arith.index_cast %parallel_loop3A_166 : i32 to index
        %parallel_loop3A_192 = arith.constant 16 : index
        %parallel_loop3A_193 = tpu.vector_load %arg10[%parallel_loop3A_191, %parallel_loop3A_192] {strides = array<i32>} : memref<128x128xf32, #tpu.memory_space<vmem>>, vector<16xf32>,
        %parallel_loop3A_194 = vector.broadcast %squeeze3A : f32 to vector<16xf32>
        %parallel_loop3A_195 = arith.mulf %parallel_loop3A_193, %parallel_loop3A_194 : vector<16xf32>
        %parallel_loop3A_196 = arith.constant 64 : i32
        %parallel_loop3A_197 = arith.muli %parallel_loop3A_166, %parallel_loop3A_196 : i32
        %parallel_loop3A_198 = arith.addi %mul3A_144, %parallel_loop3A_197 : i32
        %parallel_loop3A_199 = arith.constant 16 : i32
        %parallel_loop3A_200 = arith.addi %parallel_loop3A_198, %parallel_loop3A_199 : i32
        %parallel_loop3A_201 = arith.index_cast %parallel_loop3A_200 : i32 to index
        %parallel_loop3A_202 = tpu.vector_load %arg7[%parallel_loop3A_201] {strides = array<i32>} : memref<32768xf32, #tpu.memory_space<vmem>>, vector<16xf32>,
        %parallel_loop3A_203 = arith.addf %parallel_loop3A_195, %parallel_loop3A_202 : vector<16xf32>
        %parallel_loop3A_204 = arith.addi %mul3A_23, %parallel_loop3A_190 : vector<16xi32>
        tpu.vector_store_idx %arg11[%parallel_loop3A_204], %parallel_loop3A_203 : memref<8192xf32, #tpu.memory_space<vmem>>[vector<16xi32>], vector<16xf32>,
        %parallel_loop3A_205 = vector.broadcast %parallel_loop3A_166 : i32 to vector<16xi32>
        %parallel_loop3A_206 = arith.addi %add3A_14, %parallel_loop3A_205 : vector<16xi32>
        %parallel_loop3A_207 = arith.constant 127 : i32
        %parallel_loop3A_208 = vector.broadcast %parallel_loop3A_207 : i32 to vector<16xi32>
        %parallel_loop3A_209 = arith.andi %parallel_loop3A_206, %parallel_loop3A_208 : vector<16xi32>
        %parallel_loop3A_210 = arith.index_cast %parallel_loop3A_166 : i32 to index
        %parallel_loop3A_211 = arith.constant 32 : index
        %parallel_loop3A_212 = tpu.vector_load %arg10[%parallel_loop3A_210, %parallel_loop3A_211] {strides = array<i32>} : memref<128x128xf32, #tpu.memory_space<vmem>>, vector<16xf32>,
        %parallel_loop3A_213 = vector.broadcast %squeeze3A : f32 to vector<16xf32>
        %parallel_loop3A_214 = arith.mulf %parallel_loop3A_212, %parallel_loop3A_213 : vector<16xf32>
        %parallel_loop3A_215 = arith.constant 64 : i32
        %parallel_loop3A_216 = arith.muli %parallel_loop3A_166, %parallel_loop3A_215 : i32
        %parallel_loop3A_217 = arith.addi %mul3A_144, %parallel_loop3A_216 : i32
        %parallel_loop3A_218 = arith.constant 32 : i32
        %parallel_loop3A_219 = arith.addi %parallel_loop3A_217, %parallel_loop3A_218 : i32
        %parallel_loop3A_220 = arith.index_cast %parallel_loop3A_219 : i32 to index
        %parallel_loop3A_221 = tpu.vector_load %arg7[%parallel_loop3A_220] {strides = array<i32>} : memref<32768xf32, #tpu.memory_space<vmem>>, vector<16xf32>,
        %parallel_loop3A_222 = arith.addf %parallel_loop3A_214, %parallel_loop3A_221 : vector<16xf32>
        %parallel_loop3A_223 = arith.addi %mul3A_26, %parallel_loop3A_209 : vector<16xi32>
        tpu.vector_store_idx %arg11[%parallel_loop3A_223], %parallel_loop3A_222 : memref<8192xf32, #tpu.memory_space<vmem>>[vector<16xi32>], vector<16xf32>,
        %parallel_loop3A_224 = vector.broadcast %parallel_loop3A_166 : i32 to vector<16xi32>
        %parallel_loop3A_225 = arith.addi %add3A_17, %parallel_loop3A_224 : vector<16xi32>
        %parallel_loop3A_226 = arith.constant 127 : i32
        %parallel_loop3A_227 = vector.broadcast %parallel_loop3A_226 : i32 to vector<16xi32>
        %parallel_loop3A_228 = arith.andi %parallel_loop3A_225, %parallel_loop3A_227 : vector<16xi32>
        %parallel_loop3A_229 = arith.index_cast %parallel_loop3A_166 : i32 to index
        %parallel_loop3A_230 = arith.constant 48 : index
        %parallel_loop3A_231 = tpu.vector_load %arg10[%parallel_loop3A_229, %parallel_loop3A_230] {strides = array<i32>} : memref<128x128xf32, #tpu.memory_space<vmem>>, vector<16xf32>,
        %parallel_loop3A_232 = vector.broadcast %squeeze3A : f32 to vector<16xf32>
        %parallel_loop3A_233 = arith.mulf %parallel_loop3A_231, %parallel_loop3A_232 : vector<16xf32>
        %parallel_loop3A_234 = arith.constant 64 : i32
        %parallel_loop3A_235 = arith.muli %parallel_loop3A_166, %parallel_loop3A_234 : i32
        %parallel_loop3A_236 = arith.addi %mul3A_144, %parallel_loop3A_235 : i32
        %parallel_loop3A_237 = arith.constant 48 : i32
        %parallel_loop3A_238 = arith.addi %parallel_loop3A_236, %parallel_loop3A_237 : i32
        %parallel_loop3A_239 = arith.index_cast %parallel_loop3A_238 : i32 to index
        %parallel_loop3A_240 = tpu.vector_load %arg7[%parallel_loop3A_239] {strides = array<i32>} : memref<32768xf32, #tpu.memory_space<vmem>>, vector<16xf32>,
        %parallel_loop3A_241 = arith.addf %parallel_loop3A_233, %parallel_loop3A_240 : vector<16xf32>
        %parallel_loop3A_242 = arith.addi %mul3A_29, %parallel_loop3A_228 : vector<16xi32>
        tpu.vector_store_idx %arg11[%parallel_loop3A_242], %parallel_loop3A_241 : memref<8192xf32, #tpu.memory_space<vmem>>[vector<16xi32>], vector<16xf32>,
      } {sc.loop_unroll_factor = 4 : i64, sc.parallel_access}
      %parallel_loop3A_148 = arith.constant 0 : i32
      %parallel_loop3A_149 = arith.constant 64 : i32
      %parallel_loop3A_150 = arith.constant 1 : i32
      scf.for %parallel_loop3A_166 = %parallel_loop3A_148 to %parallel_loop3A_149 step %parallel_loop3A_150  : i32 {
        %parallel_loop3A_167 = arith.constant 128 : i32
        %parallel_loop3A_168 = arith.muli %parallel_loop3A_166, %parallel_loop3A_167 : i32
        %parallel_loop3A_169 = vector.broadcast %parallel_loop3A_166 : i32 to vector<16xi32>
        %parallel_loop3A_170 = arith.addi %add3A_32, %parallel_loop3A_169 : vector<16xi32>
        %parallel_loop3A_171 = arith.constant 127 : i32
        %parallel_loop3A_172 = vector.broadcast %parallel_loop3A_171 : i32 to vector<16xi32>
        %parallel_loop3A_173 = arith.andi %parallel_loop3A_170, %parallel_loop3A_172 : vector<16xi32>
        %parallel_loop3A_174 = vector.broadcast %parallel_loop3A_168 : i32 to vector<16xi32>
        %parallel_loop3A_175 = arith.addi %parallel_loop3A_173, %parallel_loop3A_174 : vector<16xi32>
        %parallel_loop3A_176 = tpu.vector_load_idx %arg11[%parallel_loop3A_175] : memref<8192xf32, #tpu.memory_space<vmem>>[vector<16xi32>], vector<16xf32>,
        %parallel_loop3A_177 = arith.index_cast %parallel_loop3A_166 : i32 to index
        %parallel_loop3A_178 = arith.constant 0 : index
        %parallel_loop3A_179 = tpu.vector_load %arg13[%parallel_loop3A_177, %parallel_loop3A_178] {strides = array<i32>} : memref<64x128xf32, #tpu.memory_space<vmem>>, vector<16xf32>,
        tpu.vector_store %arg13[%parallel_loop3A_177, %parallel_loop3A_178], %parallel_loop3A_176 {strides = array<i32>} : memref<64x128xf32, #tpu.memory_space<vmem>>, vector<16xf32>,
        %parallel_loop3A_180 = vector.broadcast %parallel_loop3A_166 : i32 to vector<16xi32>
        %parallel_loop3A_181 = arith.addi %add3A_35, %parallel_loop3A_180 : vector<16xi32>
        %parallel_loop3A_182 = arith.constant 127 : i32
        %parallel_loop3A_183 = vector.broadcast %parallel_loop3A_182 : i32 to vector<16xi32>
        %parallel_loop3A_184 = arith.andi %parallel_loop3A_181, %parallel_loop3A_183 : vector<16xi32>
        %parallel_loop3A_185 = vector.broadcast %parallel_loop3A_168 : i32 to vector<16xi32>
        %parallel_loop3A_186 = arith.addi %parallel_loop3A_184, %parallel_loop3A_185 : vector<16xi32>
        %parallel_loop3A_187 = tpu.vector_load_idx %arg11[%parallel_loop3A_186] : memref<8192xf32, #tpu.memory_space<vmem>>[vector<16xi32>], vector<16xf32>,
        %parallel_loop3A_188 = arith.index_cast %parallel_loop3A_166 : i32 to index
        %parallel_loop3A_189 = arith.constant 16 : index
        %parallel_loop3A_190 = tpu.vector_load %arg13[%parallel_loop3A_188, %parallel_loop3A_189] {strides = array<i32>} : memref<64x128xf32, #tpu.memory_space<vmem>>, vector<16xf32>,
        tpu.vector_store %arg13[%parallel_loop3A_188, %parallel_loop3A_189], %parallel_loop3A_187 {strides = array<i32>} : memref<64x128xf32, #tpu.memory_space<vmem>>, vector<16xf32>,
        %parallel_loop3A_191 = vector.broadcast %parallel_loop3A_166 : i32 to vector<16xi32>
        %parallel_loop3A_192 = arith.addi %add3A_38, %parallel_loop3A_191 : vector<16xi32>
        %parallel_loop3A_193 = arith.constant 127 : i32
        %parallel_loop3A_194 = vector.broadcast %parallel_loop3A_193 : i32 to vector<16xi32>
        %parallel_loop3A_195 = arith.andi %parallel_loop3A_192, %parallel_loop3A_194 : vector<16xi32>
        %parallel_loop3A_196 = vector.broadcast %parallel_loop3A_168 : i32 to vector<16xi32>
        %parallel_loop3A_197 = arith.addi %parallel_loop3A_195, %parallel_loop3A_196 : vector<16xi32>
        %parallel_loop3A_198 = tpu.vector_load_idx %arg11[%parallel_loop3A_197] : memref<8192xf32, #tpu.memory_space<vmem>>[vector<16xi32>], vector<16xf32>,
        %parallel_loop3A_199 = arith.index_cast %parallel_loop3A_166 : i32 to index
        %parallel_loop3A_200 = arith.constant 32 : index
        %parallel_loop3A_201 = tpu.vector_load %arg13[%parallel_loop3A_199, %parallel_loop3A_200] {strides = array<i32>} : memref<64x128xf32, #tpu.memory_space<vmem>>, vector<16xf32>,
        tpu.vector_store %arg13[%parallel_loop3A_199, %parallel_loop3A_200], %parallel_loop3A_198 {strides = array<i32>} : memref<64x128xf32, #tpu.memory_space<vmem>>, vector<16xf32>,
        %parallel_loop3A_202 = vector.broadcast %parallel_loop3A_166 : i32 to vector<16xi32>
        %parallel_loop3A_203 = arith.addi %add3A_41, %parallel_loop3A_202 : vector<16xi32>
        %parallel_loop3A_204 = arith.constant 127 : i32
        %parallel_loop3A_205 = vector.broadcast %parallel_loop3A_204 : i32 to vector<16xi32>
        %parallel_loop3A_206 = arith.andi %parallel_loop3A_203, %parallel_loop3A_205 : vector<16xi32>
        %parallel_loop3A_207 = vector.broadcast %parallel_loop3A_168 : i32 to vector<16xi32>
        %parallel_loop3A_208 = arith.addi %parallel_loop3A_206, %parallel_loop3A_207 : vector<16xi32>
        %parallel_loop3A_209 = tpu.vector_load_idx %arg11[%parallel_loop3A_208] : memref<8192xf32, #tpu.memory_space<vmem>>[vector<16xi32>], vector<16xf32>,
        %parallel_loop3A_210 = arith.index_cast %parallel_loop3A_166 : i32 to index
        %parallel_loop3A_211 = arith.constant 48 : index
        %parallel_loop3A_212 = tpu.vector_load %arg13[%parallel_loop3A_210, %parallel_loop3A_211] {strides = array<i32>} : memref<64x128xf32, #tpu.memory_space<vmem>>, vector<16xf32>,
        tpu.vector_store %arg13[%parallel_loop3A_210, %parallel_loop3A_211], %parallel_loop3A_209 {strides = array<i32>} : memref<64x128xf32, #tpu.memory_space<vmem>>, vector<16xf32>,
        %parallel_loop3A_213 = vector.broadcast %parallel_loop3A_166 : i32 to vector<16xi32>
        %parallel_loop3A_214 = arith.addi %add3A_44, %parallel_loop3A_213 : vector<16xi32>
        %parallel_loop3A_215 = arith.constant 127 : i32
        %parallel_loop3A_216 = vector.broadcast %parallel_loop3A_215 : i32 to vector<16xi32>
        %parallel_loop3A_217 = arith.andi %parallel_loop3A_214, %parallel_loop3A_216 : vector<16xi32>
        %parallel_loop3A_218 = vector.broadcast %parallel_loop3A_168 : i32 to vector<16xi32>
        %parallel_loop3A_219 = arith.addi %parallel_loop3A_217, %parallel_loop3A_218 : vector<16xi32>
        %parallel_loop3A_220 = tpu.vector_load_idx %arg11[%parallel_loop3A_219] : memref<8192xf32, #tpu.memory_space<vmem>>[vector<16xi32>], vector<16xf32>,
        %parallel_loop3A_221 = arith.index_cast %parallel_loop3A_166 : i32 to index
        %parallel_loop3A_222 = arith.constant 64 : index
        %parallel_loop3A_223 = tpu.vector_load %arg13[%parallel_loop3A_221, %parallel_loop3A_222] {strides = array<i32>} : memref<64x128xf32, #tpu.memory_space<vmem>>, vector<16xf32>,
        tpu.vector_store %arg13[%parallel_loop3A_221, %parallel_loop3A_222], %parallel_loop3A_220 {strides = array<i32>} : memref<64x128xf32, #tpu.memory_space<vmem>>, vector<16xf32>,
        %parallel_loop3A_224 = vector.broadcast %parallel_loop3A_166 : i32 to vector<16xi32>
        %parallel_loop3A_225 = arith.addi %add3A_47, %parallel_loop3A_224 : vector<16xi32>
        %parallel_loop3A_226 = arith.constant 127 : i32
        %parallel_loop3A_227 = vector.broadcast %parallel_loop3A_226 : i32 to vector<16xi32>
        %parallel_loop3A_228 = arith.andi %parallel_loop3A_225, %parallel_loop3A_227 : vector<16xi32>
        %parallel_loop3A_229 = vector.broadcast %parallel_loop3A_168 : i32 to vector<16xi32>
        %parallel_loop3A_230 = arith.addi %parallel_loop3A_228, %parallel_loop3A_229 : vector<16xi32>
        %parallel_loop3A_231 = tpu.vector_load_idx %arg11[%parallel_loop3A_230] : memref<8192xf32, #tpu.memory_space<vmem>>[vector<16xi32>], vector<16xf32>,
        %parallel_loop3A_232 = arith.index_cast %parallel_loop3A_166 : i32 to index
        %parallel_loop3A_233 = arith.constant 80 : index
        %parallel_loop3A_234 = tpu.vector_load %arg13[%parallel_loop3A_232, %parallel_loop3A_233] {strides = array<i32>} : memref<64x128xf32, #tpu.memory_space<vmem>>, vector<16xf32>,
        tpu.vector_store %arg13[%parallel_loop3A_232, %parallel_loop3A_233], %parallel_loop3A_231 {strides = array<i32>} : memref<64x128xf32, #tpu.memory_space<vmem>>, vector<16xf32>,
        %parallel_loop3A_235 = vector.broadcast %parallel_loop3A_166 : i32 to vector<16xi32>
        %parallel_loop3A_236 = arith.addi %add3A_50, %parallel_loop3A_235 : vector<16xi32>
        %parallel_loop3A_237 = arith.constant 127 : i32
        %parallel_loop3A_238 = vector.broadcast %parallel_loop3A_237 : i32 to vector<16xi32>
        %parallel_loop3A_239 = arith.andi %parallel_loop3A_236, %parallel_loop3A_238 : vector<16xi32>
        %parallel_loop3A_240 = vector.broadcast %parallel_loop3A_168 : i32 to vector<16xi32>
        %parallel_loop3A_241 = arith.addi %parallel_loop3A_239, %parallel_loop3A_240 : vector<16xi32>
        %parallel_loop3A_242 = tpu.vector_load_idx %arg11[%parallel_loop3A_241] : memref<8192xf32, #tpu.memory_space<vmem>>[vector<16xi32>], vector<16xf32>,
        %parallel_loop3A_243 = arith.index_cast %parallel_loop3A_166 : i32 to index
        %parallel_loop3A_244 = arith.constant 96 : index
        %parallel_loop3A_245 = tpu.vector_load %arg13[%parallel_loop3A_243, %parallel_loop3A_244] {strides = array<i32>} : memref<64x128xf32, #tpu.memory_space<vmem>>, vector<16xf32>,
        tpu.vector_store %arg13[%parallel_loop3A_243, %parallel_loop3A_244], %parallel_loop3A_242 {strides = array<i32>} : memref<64x128xf32, #tpu.memory_space<vmem>>, vector<16xf32>,
        %parallel_loop3A_246 = vector.broadcast %parallel_loop3A_166 : i32 to vector<16xi32>
        %parallel_loop3A_247 = arith.addi %add3A_53, %parallel_loop3A_246 : vector<16xi32>
        %parallel_loop3A_248 = arith.constant 127 : i32
        %parallel_loop3A_249 = vector.broadcast %parallel_loop3A_248 : i32 to vector<16xi32>
        %parallel_loop3A_250 = arith.andi %parallel_loop3A_247, %parallel_loop3A_249 : vector<16xi32>
        %parallel_loop3A_251 = vector.broadcast %parallel_loop3A_168 : i32 to vector<16xi32>
        %parallel_loop3A_252 = arith.addi %parallel_loop3A_250, %parallel_loop3A_251 : vector<16xi32>
        %parallel_loop3A_253 = tpu.vector_load_idx %arg11[%parallel_loop3A_252] : memref<8192xf32, #tpu.memory_space<vmem>>[vector<16xi32>], vector<16xf32>,
        %parallel_loop3A_254 = arith.index_cast %parallel_loop3A_166 : i32 to index
        %parallel_loop3A_255 = arith.constant 112 : index
        %parallel_loop3A_256 = tpu.vector_load %arg13[%parallel_loop3A_254, %parallel_loop3A_255] {strides = array<i32>} : memref<64x128xf32, #tpu.memory_space<vmem>>, vector<16xf32>,
        tpu.vector_store %arg13[%parallel_loop3A_254, %parallel_loop3A_255], %parallel_loop3A_253 {strides = array<i32>} : memref<64x128xf32, #tpu.memory_space<vmem>>, vector<16xf32>,
      } {sc.loop_unroll_factor = 4 : i64, sc.parallel_access}
      %add3A_151 = arith.constant 1 : i32
      %add3A_152 = arith.addi %mul3A_85, %add3A_151 : i32
      %div3A_153 = arith.constant 4 : i32
      %div3A_154 = arith.divsi %add3A_152, %div3A_153 : i32
      %add3A_155 = arith.addi %mul3A_5, %div3A_154 : i32
      %rem3A_156 = arith.constant 4 : i32
      %rem3A_157 = arith.remsi %add3A_152, %rem3A_156 : i32
      %mul3A_158 = arith.constant 128 : i32
      %mul3A_159 = arith.muli %rem3A_157, %mul3A_158 : i32
      %dma_start3A_160 = arith.constant 0 : i32
      %dma_start3A_161 = tpu.memref_slice %arg6[%add3A_155, %dma_start3A_160, %mul3A_159] : memref<1024x64x512xf32, #tpu.memory_space<hbm>> -> memref<1x64x128xf32, #tpu.memory_space<hbm>>
      %dma_start3A_162 = tpu.memref_squeeze %dma_start3A_161 : memref<1x64x128xf32, #tpu.memory_space<hbm>> -> memref<64x128xf32, #tpu.memory_space<hbm>>
      %dma_start3A_163 = arith.constant 0 : i32
      %dma_start3A_164 = tpu.memref_slice %arg6[%add3A_155, %dma_start3A_163, %mul3A_159] : memref<1024x64x512xf32, #tpu.memory_space<hbm>> -> memref<1x64x128xf32, #tpu.memory_space<hbm>>
      %dma_start3A_165 = tpu.memref_squeeze %dma_start3A_164 : memref<1x64x128xf32, #tpu.memory_space<hbm>> -> memref<64x128xf32, #tpu.memory_space<hbm>>
      tpu.enqueue_dma source(%arg13 : memref<64x128xf32, #tpu.memory_space<vmem>>) target(%dma_start3A_165 : memref<64x128xf32, #tpu.memory_space<hbm>>) target_semaphore(%arg17 : memref<!tpu.dma_semaphore, #tpu.memory_space<semaphore_mem>>)
    }
    %scan3A_61 = arith.constant 64 : i32
    %dma_wait3A = arith.constant 0 : i32
    %dma_wait3A_62 = arith.constant 0 : i32
    %dma_wait3A_63 = arith.constant 0 : i32
    %dma_wait3A_64 = tpu.memref_slice %arg6[%dma_wait3A, %dma_wait3A_62, %dma_wait3A_63] : memref<1024x64x512xf32, #tpu.memory_space<hbm>> -> memref<1x64x128xf32, #tpu.memory_space<hbm>>
    %dma_wait3A_65 = tpu.memref_squeeze %dma_wait3A_64 : memref<1x64x128xf32, #tpu.memory_space<hbm>> -> memref<64x128xf32, #tpu.memory_space<hbm>>
    %dma_wait3A_66 = arith.constant 0 : i32
    %dma_wait3A_67 = arith.constant 0 : i32
    %dma_wait3A_68 = tpu.memref_slice %arg6[%dma_wait3A, %dma_wait3A_66, %dma_wait3A_67] : memref<1024x64x512xf32, #tpu.memory_space<hbm>> -> memref<1x64x128xf32, #tpu.memory_space<hbm>>
    %dma_wait3A_69 = tpu.memref_squeeze %dma_wait3A_68 : memref<1x64x128xf32, #tpu.memory_space<hbm>> -> memref<64x128xf32, #tpu.memory_space<hbm>>
    tpu.wait_dma2 semaphore(%arg16 : memref<!tpu.dma_semaphore, #tpu.memory_space<semaphore_mem>>) src(%arg12 : memref<64x128xf32, #tpu.memory_space<vmem>>) dst(%dma_wait3A_69 : memref<64x128xf32, #tpu.memory_space<hbm>>)
    %dma_wait3A_70 = arith.constant 0 : i32
    %dma_wait3A_71 = arith.constant 0 : i32
    %dma_wait3A_72 = arith.constant 0 : i32
    %dma_wait3A_73 = tpu.memref_slice %arg6[%dma_wait3A_70, %dma_wait3A_71, %dma_wait3A_72] : memref<1024x64x512xf32, #tpu.memory_space<hbm>> -> memref<1x64x128xf32, #tpu.memory_space<hbm>>
    %dma_wait3A_74 = tpu.memref_squeeze %dma_wait3A_73 : memref<1x64x128xf32, #tpu.memory_space<hbm>> -> memref<64x128xf32, #tpu.memory_space<hbm>>
    %dma_wait3A_75 = arith.constant 0 : i32
    %dma_wait3A_76 = arith.constant 0 : i32
    %dma_wait3A_77 = tpu.memref_slice %arg6[%dma_wait3A_70, %dma_wait3A_75, %dma_wait3A_76] : memref<1024x64x512xf32, #tpu.memory_space<hbm>> -> memref<1x64x128xf32, #tpu.memory_space<hbm>>
    %dma_wait3A_78 = tpu.memref_squeeze %dma_wait3A_77 : memref<1x64x128xf32, #tpu.memory_space<hbm>> -> memref<64x128xf32, #tpu.memory_space<hbm>>
    tpu.wait_dma2 semaphore(%arg17 : memref<!tpu.dma_semaphore, #tpu.memory_space<semaphore_mem>>) src(%arg13 : memref<64x128xf32, #tpu.memory_space<vmem>>) dst(%dma_wait3A_78 : memref<64x128xf32, #tpu.memory_space<hbm>>)
    return
  }
}

</mosaic_0001>

<sc_bundles>
// kernel: kernel.3.cloned.1.call-start
scs
__scs_entry_jumppad:
0x0: {  	(pc) =	sbr.rel $0x88, $3  }
0x1: {  	(tag) =	ssettag $0x0;
	lr =	simm.s32 $0x1  }
0x2: {  	[smem:$0x3F9E] =	sst lr;
	_ =	strace $0xD0000000  }
0x3: {  	_ = 	snop  }
0x4: {  	_ = 	snop  }
0x5: {  	_ = 	snop  }
0x6: {  	_ = 	snop  }
0x7: {  	_ = 	snop  }
__scs_overlays_trampoline_lowered:
0x8: {  	[smem:$0x3FAD] =	sst s0  }
0x9: {  	[smem:$0x3FAE] =	sst s1  }
0xa: {  	[smem:$0x3FAF] =	sst s2  }
0xb: {  	[smem:$0x3FB0] =	sst s3  }
0xc: {  	[smem:$0x3FB1] =	sst s4  }
0xd: {  	[smem:$0x3FB2] =	sst s5  }
0xe: {  	[smem:$0x3FB3] =	sst s6  }
0xf: {  	[smem:$0x3FB4] =	sst s7  }
0x10: {  	[smem:$0x3FB5] =	sst s8  }
0x11: {  	[smem:$0x3FB6] =	sst s9;
	s0 =	simm.s32 @!p0 $0x0  }
0x12: {  	s1 =	sld [smem:$0x3F9C];
	s0 =	simm.s32 @p0 $0x1  }
0x13: {  	[smem:$0x3FB7] =	sst s0;
	s0 =	simm.s32 @!p1 $0x0  }
0x14: {  	s2 =	sld [smem:$0x3F9B];
	s0 =	simm.s32 @p1 $0x1  }
0x15: {  	[smem:$0x3FB8] =	sst s0;
	s0 =	simm.s32 @!p2 $0x0  }
0x16: {  	s3 =	sld [smem:$0x3FDB];
	s0 =	simm.s32 @p2 $0x1  }
0x17: {  	s4 =	simm.s32 $0x1BF5;
	[smem:$0x3FBA] =	sst s0  }
0x18: {  	s0 =	sld [smem:$0x3F9D];
	_ =	swait.ge [sflag:s4], $0x0  }
0x19: {  	s7 =	sld [smem:$0x3F9E]  }
0x1a: {  	s8 =	sadd.s32 $0xFFFFE003, lr  }
0x1b: {  	s9 =	sadd.s32 $0xFFFFFEF7, lr;
	s5 =	simm.s32 $0xFFFFFFFF;
	p2 =	slt.u32 s8, $0xFFFFF086  }
0x1c: {  	p1 =	slt.u32 s9, $0xF7A;
	s5 =	simm.s32 @!p2 $0x0  }
0x1d: {  	s5 =	simm.s32 @p1 $0x1;
	p0 =	seq.s32 s7, s2  }
0x1e: {  	s7 =	smul.u32 @!p0 $0xF7A, s2;
	p2 =	seq.s32 @!p0 s5, $0x0  }
0x1f: {  	s9 =	smul.u32 $0xF7A, s1;
	s8 =	simm.s32 @!p0 $0x1BF5;
	p2 =	por !p2, p0  }
0x20: {  	[sflag:s8] =	ssyncset.s32 @!p0 $0xFFFFF086;
	s6 =	sadd.s32 @!p0 s3, s7;
	s7 =	simm.s32 @!p0 $0x108  }
0x21: {  	s3 =	sadd.s32 s3, s9;
	s6 =	sadd.s32 @!p0 $0x88, s6;
	s7 =	simm.s32 @p2 $0x1082  }
0x22: {  	[simem:s7], [sflag:s8] =	dma.local @!p0 [hbm:s6], $0xF7A  }
0x23: {  	s9 =	sor.u32 $0xD0000000, s2;
	s6 =	simm.s32 $0x108;
	_ =	swait.ge @!p0 [sflag:s8], $0x0  }
0x24: {  	s3 =	sadd.s32 $0x88, s3;
	s6 =	simm.s32 @!p1 $0x1082;
	[sflag:s4] =	ssyncset.s32 $0xFFFFF086  }
0x25: {  	[simem:s6], [sflag:s4] =	dma.local [hbm:s3], $0xF7A  }
0x26: {  	[smem:$0x3F9E] =	sst s1;
	(tag) =	ssettag s2;
	_ =	strace s9  }
0x27: {  	s1 =	sld [smem:$0x3FAE]  }
0x28: {  	s2 =	sld [smem:$0x3FAF]  }
0x29: {  	s4 =	sld [smem:$0x3FB1]  }
0x2a: {  	p0 =	seq.s32 s5, $0x0;
	s5 =	sld [smem:$0x3FB2]  }
0x2b: {  	s6 =	sld [smem:$0x3FB3]  }
0x2c: {  	s7 =	sld [smem:$0x3FB4]  }
0x2d: {  	s3 =	simm.s32 $0x108;
	s8 =	sld [smem:$0x3FB5]  }
0x2e: {  	s3 =	simm.s32 @!p0 $0x1082;
	s9 =	sld [smem:$0x3FB6]  }
0x2f: {  	lr =	sadd.s32 s0, s3;
	s0 =	sld [smem:$0x3FAD]  }
0x30: {  	s3 =	sld [smem:$0x3FB0]  }
0x31: {  	[smem:$0x3FB9] =	sst s10  }
0x32: {  	s10 =	sld [smem:$0x3FB7];
	_ =	sdelay $0x3  }
0x33: {  	p0 =	seq.s32 s10, $0x1;
	s10 =	sld [smem:$0x3FB9];
	_ =	sdelay $0x3  }
0x34: {  	[smem:$0x3FB9] =	sst s10  }
0x35: {  	s10 =	sld [smem:$0x3FB8];
	_ =	sdelay $0x3  }
0x36: {  	p1 =	seq.s32 s10, $0x1;
	s10 =	sld [smem:$0x3FB9];
	_ =	sdelay $0x3  }
0x37: {  	[smem:$0x3FB9] =	sst s10  }
0x38: {  	s10 =	sld [smem:$0x3FBA]  }
0x39: {  	_ = 	snop;
	(pc) =	sbr.ind lr, $3  }
0x3a: {  	_ = 	snop  }
0x3b: {  	_ = 	snop  }
0x3c: {  	p2 =	seq.s32 s10, $0x1;
	s10 =	sld [smem:$0x3FB9]  }
0x3d: {  	_ =	shalt  }
0x3e: {  	_ =	shalt  }
0x3f: {  	_ =	shalt  }
0x40: {  	_ =	shalt  }
0x41: {  	_ =	shalt  }
0x42: {  	_ =	shalt  }
0x43: {  	_ =	shalt  }
0x44: {  	_ =	shalt  }
0x45: {  	_ =	shalt  }
0x46: {  	_ =	shalt  }
0x47: {  	_ =	shalt  }
0x48: {  	_ =	shalt  }
0x49: {  	_ =	shalt  }
0x4a: {  	_ =	shalt  }
0x4b: {  	_ =	shalt  }
0x4c: {  	_ =	shalt  }
0x4d: {  	_ =	shalt  }
0x4e: {  	_ =	shalt  }
0x4f: {  	_ =	shalt  }
0x50: {  	_ =	shalt  }
0x51: {  	_ =	shalt  }
0x52: {  	_ =	shalt  }
0x53: {  	_ =	shalt  }
0x54: {  	_ =	shalt  }
0x55: {  	_ =	shalt  }
0x56: {  	_ =	shalt  }
0x57: {  	_ =	shalt  }
0x58: {  	_ =	shalt  }
0x59: {  	_ =	shalt  }
0x5a: {  	_ =	shalt  }
0x5b: {  	_ =	shalt  }
0x5c: {  	_ =	shalt  }
0x5d: {  	_ =	shalt  }
0x5e: {  	_ =	shalt  }
0x5f: {  	_ =	shalt  }
0x60: {  	_ =	shalt  }
0x61: {  	_ =	shalt  }
0x62: {  	_ =	shalt  }
0x63: {  	_ =	shalt  }
0x64: {  	_ =	shalt  }
0x65: {  	_ =	shalt  }
0x66: {  	_ =	shalt  }
0x67: {  	_ =	shalt  }
0x68: {  	_ =	shalt  }
0x69: {  	_ =	shalt  }
0x6a: {  	_ =	shalt  }
0x6b: {  	_ =	shalt  }
0x6c: {  	_ =	shalt  }
0x6d: {  	_ =	shalt  }
0x6e: {  	_ =	shalt  }
0x6f: {  	_ =	shalt  }
0x70: {  	_ =	shalt  }
0x71: {  	_ =	shalt  }
0x72: {  	_ =	shalt  }
0x73: {  	_ =	shalt  }
0x74: {  	_ =	shalt  }
0x75: {  	_ =	shalt  }
0x76: {  	_ =	shalt  }
0x77: {  	_ =	shalt  }
0x78: {  	_ =	shalt  }
0x79: {  	_ =	shalt  }
0x7a: {  	_ =	shalt  }
0x7b: {  	_ =	shalt  }
0x7c: {  	_ =	shalt  }
0x7d: {  	_ =	shalt  }
0x7e: {  	_ =	shalt  }
0x7f: {  	_ =	shalt  }
0x80: {  	_ =	shalt  }
0x81: {  	_ =	shalt  }
0x82: {  	_ =	shalt  }
0x83: {  	_ =	shalt  }
0x84: {  	_ =	shalt  }
0x85: {  	_ =	shalt  }
0x86: {  	_ =	shalt  }
0x87: {  	_ =	shalt  }
.Lfunc_end0:
.L_simem_size_0:
called_computation_lowered:
.L_overlay_start_0:
0x88: {  	s2 =	sld [smem:$0x3FD9]  }
0x89: {  	s3 =	sld [smem:$0x3FFE];
	_ =	sdelay $0x1  }
0x8a: {  	s1 =	srdreg.scid  }
0x8b: {  	s0 =	sand.u32 $0x1, s1  }
0x8c: {  	s17 =	sshll.u32 s0, $0xA;
	s2 =	sadd.s32 s3, s2  }
0x8d: {  	s2 =	sadd.s32 s2, s17  }
0x8e: {  	[smem:$0x3FC5] =	sst s2  }
0x8f: {  	_ = 	snop  }
0x90: {  	s2 =	sld [smem:$0x3FD0];
	(tm) =	ssettm $0x1  }
0x91: {  	s18 =	sld [smem:$0x3FFB];
	_ =	sdelay $0x3  }
0x92: {  	_ =	strace s18  }
0x93: {  	s3 =	sld [smem:$0x3FFC];
	_ =	sdelay $0x3  }
0x94: {  	_ =	strace s3  }
0x95: {  	s3 =	sld [smem:$0x3FFD];
	_ =	sdelay $0x3  }
0x96: {  	_ =	strace s3  }
0x97: {  	_ =	strace $0x8FFFFFFF  }
0x98: {  	s19 =	sld [smem:$0x3FDB];
	_ =	sdelay $0x1  }
0x99: {  	s4 =	simm.s32 $_scs_section_size  }
0x9a: {  	s5 =	simm.s32 $_size__tile_overlayer_lowered;
	s6 =	simm.s32 $_tile_overlayer_lowered  }
0x9b: {  	s22 =	simm.s32 $0x1BFF;
	s21 =	sshll.u32 s6, $0x1;
	s3 =	sadd.s32 s4, s19  }
0x9c: {  	s7 =	simm.s32 $0x0;
	s20 =	sshll.u32 s5, $0x1;
	s5 =	sadd.s32 s21, s3  }
0x9d: {  	[timem:s7], [sflag:s22] =	dma.local [hbm:s5], s20  }
0x9e: {  	_ =	swait.ge [sflag:s22], s20  }
0x9f: {  	s4 =	ssub.s32 $0x0, s20;
	[sflag:s22] =	ssyncset.done $0x0  }
0xa0: {  	[sflag:s22] =	ssyncadd.s32 s4;
	_ =	sdelay $0x1  }
0xa1: {  	s23 =	simm.s32 $0x1B8B  }
0xa2: {  	_ =	swait.ge [sflag:s23], $0x1  }
0xa3: {  	[sflag:s23] =	ssyncset.done $0x0  }
0xa4: {  	s25 =	simm.s32 $0x1B8E;
	s24 =	sld [smem:$0x3FFE];
	[sflag:s23] =	ssyncadd.s32 $0xFFFFFFFF  }
0xa5: {  	s26 =	simm.s32 $execute0_lowered;
	[smem:$0x3FD2] =	sst s25  }
0xa6: {  	s5 =	sshll.u32 s26, $0x1;
	_ =	strace $0x80000046;
	[dreg:$0x1] =	wrdreg $0xFFFFFFFF  }
0xa7: {  	s28 =	simm.s32 $_size_execute0_lowered;
	s3 =	sadd.s32 s3, s5;
	[dreg:$0x0] =	wrdreg $0x0  }
0xa8: {  	s5 =	sshll.u32 s28, $0x1;
	[dreg:$0x2] =	wrdreg s3  }
0xa9: {  	[dreg:$0x3] =	wrdreg s5  }
0xaa: {  	[dreg:$0x4] =	wrdreg $0xC0  }
0xab: {  	_ =	task [dreg:s7], $0x5FFFF  }
0xac: {  	[dreg:$0x1] =	wrdreg $0xFFFFFFFF  }
0xad: {  	[dreg:$0x0] =	wrdreg $0x60  }
0xae: {  	[dreg:$0x2] =	wrdreg s24  }
0xaf: {  	[dreg:$0x3] =	wrdreg s2  }
0xb0: {  	[dreg:$0x4] =	wrdreg $0x9  }
0xb1: {  	_ =	task.clear_ibuf [dreg:s7], $0x5FFFF;
	_ =	strace $0x90000046  }
0xb2: {  	s29 =	simm.s32 $0x9;
	_ =	strace $0x80000048  }
0xb3: {  	_ =	swait.ge [sflag:s29], $0x1  }
0xb4: {  	[sflag:s29] =	ssyncadd.s32 $0xFFFFFFFF  }
0xb5: {  	_ =	strace $0x90000048  }
0xb6: {  	_ =	sfence  }
0xb7: {  	s30 =	sld [smem:$0x0];
	_ =	sdelay $0x2  }
0xb8: {  	s31 =	sshll.u32 s1, $0xD;
	s1 =	sshrl.u32 s1, $0x2  }
0xb9: {  	s3 =	sand.u32 $0x4000, s31;
	s1 =	sadd.s32 s1, s30  }
0xba: {  	s0 =	sor.u32 s3, s0;
	s1 =	sshll.u32 s1, $0x11  }
0xbb: {  	s0 =	sor.u32 s1, s0  }
0xbc: {  	s0 =	sadd.s32 $0x8F2B, s0  }
0xbd: {  	[sflag:s0] =	ssyncadd.remote.s32 $0x1  }
0xbe: {  	_ =	sfence.sel $0xFFFF  }
0xbf: {  	[dreg:$0x0] =	wrdreg $0xFFFFFFFF;
	(pc) =	sbr.abs _section_cstart, $3  }
0xc0: {  	[dreg:$0x1] =	wrdreg $0xFFFFFFFF  }
0xc1: {  	_ =	task.clear_ibuf [dreg:s7], $0x2FFFF;
	_ =	strace $0x9FFFFFFF  }
0xc2: {  	(tm) =	ssettm $0x7FFFFFFF  }
0xc3: {  	_ =	shalt  }
tec
execute0_lowered:
.L_overlay_start_1:
0x0: {  	(tag) =	ssettag $0x1  }
0x1: {  	s0 =	rddreg [dreg:$0x0];
	s1 =	srdreg.scid  }
0x2: {  	s2 =	stileid.u32;
	s3 =	simm.s32 $0x0;
	s1 =	sand.u32 $0x1, s1  }
0x3: {  	s2 =	sshll.u32 s2, $0x1;
	[smem:$0x7FF] =	sst s3;
	s4 =	sadd.s32 $0x11400, s0  }
0x4: {  	s28 =	sadd.s32 $0x400, s0;
	_ =	strace $0x80000047;
	[dreg:$0x3] =	wrdreg s4  }
0x5: {  	s2 =	sor.u32 s1, s2;
	s1 =	ssub.s32 $0x2, s1;
	[dreg:$0x4] =	wrdreg s28  }
0x6: {  	v0 =	vlaneseq.u32;
	s26 =	sshll.u32 s2, $0xB;
	s5 =	sshrl.u32 s1, $0x1;
	s31 =	sshll.u32 s2, $0x11  }
0x7: {  	v1 =	vmul.u32 $0x80, v0;
	v2 =	vor.u32 $0x10, v0;
	s3 =	sadd.s32 s26, s0;
	s0 =	sadd.s32 $0x197E00, s0;
	[dreg:$0x7] =	wrdreg s31  }
0x8: {  	v4 =	vor.u32 $0x20, v0;
	v6 =	vor.u32 $0x30, v0;
	v8 =	vor.u32 $0x40, v0;
	s29 =	ssub.s32 s1, s5;
	[dreg:$0x5] =	wrdreg s0;
	s30 =	sadd.s32 $0x1400, s3  }
0x9: {  	v9 =	vor.u32 $0x50, v0;
	v10 =	vor.u32 $0x60, v0;
	v11 =	vor.u32 $0x70, v0;
	s0 =	smax.u32 s29, $0x1;
	[dreg:$0x6] =	wrdreg s30  }
0xa: {  	s17 =	simm.s32 $0x14000;
	v3 =	vor.u32 $0x800, v1;
	v5 =	vor.u32 $0x1000, v1;
	v7 =	vor.u32 $0x1800, v1;
	s2 =	simm.s32 $0x0;
	[dreg:$0x8] =	wrdreg s0  }
.LBB2_1:
0xb: {  	[dreg:$0x9] =	wrdreg s2;
	s0 =	simm.s32 $0x0  }
0xc: {  	s1 =	rddreg [dreg:$0x5];
	s23 =	simm.s32 $0x1A000;
	s24 =	simm.s32 $0x5  }
0xd: {  	[tilespmem:s23], [sflag:$0x5] =	stream.linear.gather [hbm4b:s1+s0], $0x1, $0x38;
	[tilespmem:$0x1A080] =	vst v63  }
0xe: {  	_ =	swait.ge [sflag:s24], $0x1  }
0xf: {  	[sflag:s24] =	ssyncset.done $0x0  }
0x10: {  	s25 =	rddreg [dreg:$0x4];
	[sflag:s24] =	ssyncadd.s32 $0xFFFFFFFF  }
0x11: {  	v12 =	vld.msk [tilespmem:$0x1A000 ss:$0x0], $0xffff;
	[tilespmem:s0], [sflag:$0x5] =	stream.linear.gather [hbm4b:s25+s0], $0x8000, $0x38  }
0x12: {  	_ =	swait.ge [sflag:s24], $0x8000  }
0x13: {  	[sflag:s24] =	ssyncset.done $0x0  }
0x14: {  	s3 =	simm.s32 $0x8000;
	s26 =	rddreg [dreg:$0x6];
	[sflag:s24] =	ssyncadd.s32 $0xFFFF8000  }
0x15: {  	[tilespmem:s3], [sflag:$0x5] =	stream.linear.gather [hbm4b:s26+s0], $0x4000, $0x38;
	[tilespmem:$0x1A080] =	vst v63  }
0x16: {  	s30 =	simm.s32 $0x80;
	s31 =	simm.s32 $0xC000;
	_ =	swait.ge [sflag:s24], $0x4000  }
0x17: {  	p0 =	por $0x0, $0x0;
	s28 =	simm.s32 $0x0;
	[sflag:s24] =	ssyncset.done $0x0  }
0x18: {  	s26 =	simm.s32 $0x0;
	s29 =	rddreg [dreg:$0x3];
	[sflag:s24] =	ssyncadd.s32 $0xFFFFC000  }
0x19: {  	[tilespmem:s31], [sflag:$0x1] =	stream.indirect.gather [hbm4b:s29+s30], $0x80, s3, s30, $0xb8;
	[tilespmem:$0x1A080] =	vst v63  }
.LBB2_2:
0x1a: {  	s31 =	sshllo.u32 s28, $0x1  }
0x1b: {  	s0 =	sshll.u32 s31, $0x7  }
0x1c: {  	s1 =	rddreg [dreg:$0x3];
	s2 =	simm.s32 $0x80;
	s0 =	sand.u32 $0x3FFFFF80, s0  }
0x1d: {  	s3 =	simm.s32 $0x10000;
	s16 =	simm.s32 $0x1;
	s0 =	sadd.s32 $0x8000, s0  }
0x1e: {  	[tilespmem:s3], [sflag:$0x2] =	stream.indirect.gather [hbm4b:s1+s2], $0x80, s0, s2, $0xb8;
	[tilespmem:$0x1A080] =	vst v63  }
0x1f: {  	_ =	swait.ge [sflag:s16], $0x4000  }
0x20: {  	p1 =	seq.s32 s28, $0x0;
	[sflag:s16] =	ssyncset.done $0x0  }
0x21: {  	s0 =	simm.s32 @!p1 $0x3;
	[sflag:s16] =	ssyncadd.s32 $0xFFFFC000  }
0x22: {  	_ =	swait.ge @!p1 [sflag:s0], $0x2000  }
0x23: {  	s1 =	simm.s32 $0x1;
	[sflag:s0] =	ssyncset.done @!p1 $0x0  }
0x24: {  	s3 =	simm.s32 $0xC100;
	s1 =	simm.s32 @!p0 $0x0;
	[sflag:s0] =	ssyncadd.s32 @!p1 $0xFFFFE000  }
0x25: {  	s18 =	sshll.u32 s1, $0xE;
	v13 =	vld [tilespmem:s3+$0x80]  }
0x26: {  	s5 =	simm.s32 $0x3;
	s20 =	sor.u32 $0x80, s18;
	v14 =	vld [tilespmem:s3+$0xFFFFFF00]  }
0x27: {  	v15 =	vadd.s32 s5, v0;
	v16 =	vld [tilespmem:s20+$0x40]  }
0x28: {  	v15 =	vand.u32 $0x7F, v15;
	v17 =	vld [tilespmem:s3+$0xFFFFFF80]  }
0x29: {  	s12 =	simm.s32 $0x0;
	v15 =	vor.u32 v1, v15;
	v18 =	vld [tilespmem:s3+$0x0]  }
0x2a: {  	s9 =	simm.s32 $0x1;
	s6 =	simm.s32 $0x2;
	v19 =	vadd.s32 s12, v0;
	v20 =	vld [tilespmem:s20+$0xFFFFFF80];
	v13 =	vmul.f32 v13, v12  }
0x2b: {  	v21 =	vadd.s32 s9, v0;
	v23 =	vadd.s32 s6, v0;
	v19 =	vand.u32 $0x7F, v19;
	v22 =	vld [tilespmem:s20+$0xFFFFFFC0]  }
0x2c: {  	v21 =	vand.u32 $0x7F, v21;
	v19 =	vor.u32 v1, v19;
	v24 =	vld [tilespmem:s20+$0x0];
	v13 =	vadd.f32 v16, v13  }
0x2d: {  	v14 =	vmul.f32 v14, v12;
	v16 =	vor.u32 v1, v21;
	v21 =	vand.u32 $0x7F, v23  }
0x2e: {  	v17 =	vmul.f32 v17, v12;
	v21 =	vor.u32 v1, v21;
	[tilespmem:v15+s17+$0x0] =	vst.idx.msk $0xffff, v13  }
0x2f: {  	s14 =	sor.u32 $0xC0, s18;
	v14 =	vadd.f32 v20, v14;
	v13 =	vmul.f32 v18, v12;
	v15 =	vld [tilespmem:s3+$0x90]  }
0x30: {  	s0 =	sor.u32 $0x50, s14;
	v17 =	vadd.f32 v22, v17  }
0x31: {  	[tilespmem:v19+s17+$0x0] =	vst.idx.msk $0xffff, v14;
	v14 =	vadd.s32 s5, v2;
	v18 =	vld [tilespmem:s0+$0x0];
	v13 =	vadd.f32 v24, v13  }
0x32: {  	v19 =	vld [tilespmem:s3+$0xFFFFFF10];
	v14 =	vand.u32 $0x7F, v14;
	[tilespmem:v16+s17+$0x0] =	vst.idx.msk $0xffff, v17  }
0x33: {  	v20 =	vld [tilespmem:s20+$0xFFFFFF90];
	[tilespmem:v21+s17+$0x0] =	vst.idx.msk $0xffff, v13;
	v13 =	vor.u32 v3, v14  }
0x34: {  	s19 =	sadd.s32 $0xFFFFFF80, s14;
	v16 =	vld [tilespmem:s3+$0xFFFFFF90];
	v15 =	vmul.f32 v15, v12  }
0x35: {  	s21 =	sor.u32 $0x50, s19;
	v17 =	vadd.s32 s12, v2;
	v14 =	vld [tilespmem:s3+$0x10]  }
0x36: {  	v17 =	vand.u32 $0x7F, v17;
	v21 =	vadd.s32 s9, v2;
	v22 =	vld [tilespmem:s21+$0x0];
	v15 =	vadd.f32 v18, v15  }
0x37: {  	v17 =	vor.u32 v3, v17;
	v21 =	vand.u32 $0x7F, v21;
	v23 =	vld [tilespmem:s20+$0x10];
	v18 =	vadd.s32 s6, v2  }
0x38: {  	v19 =	vmul.f32 v19, v12;
	v21 =	vor.u32 v3, v21;
	v18 =	vand.u32 $0x7F, v18;
	[tilespmem:v13+s17+$0x0] =	vst.idx.msk $0xffff, v15  }
0x39: {  	v13 =	vmul.f32 v16, v12;
	v15 =	vor.u32 v3, v18;
	v16 =	vld [tilespmem:s3+$0xA0]  }
0x3a: {  	s22 =	sor.u32 $0x60, s14;
	v14 =	vmul.f32 v14, v12;
	v18 =	vadd.f32 v20, v19  }
0x3b: {  	v19 =	vadd.s32 s5, v4;
	v20 =	vld [tilespmem:s22+$0x0];
	v13 =	vadd.f32 v22, v13  }
0x3c: {  	[tilespmem:v17+s17+$0x0] =	vst.idx.msk $0xffff, v18;
	v14 =	vadd.f32 v23, v14;
	v17 =	vand.u32 $0x7F, v19  }
0x3d: {  	v18 =	vld [tilespmem:s3+$0xFFFFFF20];
	[tilespmem:v21+s17+$0x0] =	vst.idx.msk $0xffff, v13;
	v13 =	vor.u32 v5, v17  }
0x3e: {  	v17 =	vld [tilespmem:s3+$0xFFFFFFA0];
	[tilespmem:v15+s17+$0x0] =	vst.idx.msk $0xffff, v14;
	v14 =	vmul.f32 v16, v12  }
0x3f: {  	v24 =	vld [tilespmem:s20+$0xFFFFFFA0]  }
0x40: {  	s24 =	sor.u32 $0x60, s19;
	v15 =	vadd.s32 s12, v4;
	v19 =	vld [tilespmem:s3+$0x20];
	v14 =	vadd.f32 v20, v14  }
0x41: {  	s23 =	sshll.u32 s26, $0xD;
	s25 =	sshll.u32 s28, $0x1;
	s11 =	simm.s32 $0x4;
	v23 =	vadd.s32 s6, v4;
	v21 =	vadd.s32 s9, v4;
	v20 =	vand.u32 $0x7F, v15;
	v15 =	vld [tilespmem:s24+$0x0]  }
0x42: {  	s13 =	simm.s32 $0x0;
	s2 =	simm.s32 $0x8;
	s1 =	sand.u32 $0x2, s25;
	v16 =	vld [tilespmem:s20+$0x20];
	v25 =	vmul.f32 v18, v12;
	v22 =	vor.u32 v5, v20;
	[tilespmem:v13+s17+$0x0] =	vst.idx.msk $0xffff, v14;
	v14 =	vand.u32 $0x7F, v21  }
0x43: {  	s25 =	simm.s32 $0x2;
	s7 =	sor.u32 $0x70, s14;
	s24 =	simm.s32 $0xC300;
	v20 =	vmul.f32 v17, v12;
	v13 =	vld [tilespmem:s3+$0xB0];
	v17 =	vor.u32 v5, v14;
	v14 =	vand.u32 $0x7F, v23  }
0x44: {  	s16 =	sor.u32 $0x70, s19;
	s0 =	sand.u32 $0x6000, s23;
	s23 =	smov.u32 s20;
	v23 =	vld [tilespmem:s24+$0x80];
	v18 =	vor.u32 v5, v14  }
0x45: {  	s29 =	sadd.s32 $0x2040, s0;
	s30 =	sadd.s32 $0x20C0, s0;
	s0 =	simm.s32 $0x4;
	v24 =	vadd.f32 v24, v25;
	v21 =	vmul.f32 v19, v12;
	v19 =	vadd.s32 s5, v6;
	v14 =	vld [tilespmem:s7+$0x0]  }
.LBB2_3:
0x46: {  	p2 =	slt.u32 s2, $0x7C;
	v25 =	vld [tilespmem:s24+$0xFFFFFF00];
	s8 =	sadd.s32 $0x3, s11;
	v15 =	vadd.f32 v15, v20;
	v19 =	vand.u32 $0x7F, v19;
	s20 =	sadd.s32 $0x100, s20  }
0x47: {  	v20 =	vadd.s32 s8, v0;
	v26 =	vld [tilespmem:s20+$0x40];
	[tilespmem:v22+s17+$0x0] =	vst.idx.msk $0xffff, v24;
	v16 =	vadd.f32 v16, v21;
	v19 =	vor.u32 v7, v19  }
0x48: {  	v21 =	vld [tilespmem:s24+$0xFFFFFF80];
	v20 =	vand.u32 $0x7F, v20;
	[tilespmem:v17+s17+$0x0] =	vst.idx.msk $0xffff, v15;
	v13 =	vmul.f32 v13, v12  }
0x49: {  	v15 =	vadd.s32 s11, v0;
	v17 =	vld [tilespmem:s24+$0x0];
	v20 =	vor.u32 v1, v20;
	[tilespmem:v18+s17+$0x0] =	vst.idx.msk $0xffff, v16  }
0x4a: {  	s22 =	sadd.s32 $0x1, s11;
	s18 =	sadd.s32 $0x2, s11;
	v15 =	vand.u32 $0x7F, v15;
	v18 =	vmul.f32 v23, v12;
	v16 =	vld [tilespmem:s20+$0xFFFFFF80];
	v13 =	vadd.f32 v14, v13  }
0x4b: {  	v22 =	vadd.s32 s22, v0;
	v24 =	vadd.s32 s18, v0;
	v14 =	vmul.f32 v25, v12;
	v23 =	vld [tilespmem:s20+$0xFFFFFFC0]  }
0x4c: {  	s7 =	simm.s32 $0x180;
	s10 =	simm.s32 $0x16100;
	v22 =	vand.u32 $0x7F, v22;
	v15 =	vor.u32 v1, v15;
	v25 =	vld [tilespmem:s20+$0x0];
	v18 =	vadd.f32 v26, v18;
	[tilespmem:v19+s17+$0x0] =	vst.idx.msk $0xffff, v13  }
0x4d: {  	v19 =	vor.u32 v1, v22;
	v13 =	vmul.f32 v21, v12;
	v21 =	vand.u32 $0x7F, v24;
	v22 =	vld [tilespmem:s3+$0xFFFFFF30]  }
0x4e: {  	v17 =	vmul.f32 v17, v12;
	v21 =	vor.u32 v1, v21;
	[tilespmem:v20+s17+$0x0] =	vst.idx.msk $0xffff, v18;
	v18 =	vld [tilespmem:s3+$0xFFFFFFB0]  }
0x4f: {  	s14 =	sadd.s32 $0x100, s14;
	v14 =	vadd.f32 v16, v14;
	v16 =	vld [tilespmem:s24+$0x90]  }
0x50: {  	s15 =	sadd.s32 $0xFFFFFF80, s14;
	s21 =	sor.u32 $0x50, s14;
	v13 =	vadd.f32 v23, v13;
	v20 =	vld [tilespmem:s3+$0x30];
	s3 =	smov.u32 s24  }
0x51: {  	s4 =	sor.u32 $0x50, s15;
	s19 =	sor.u32 $0x60, s15;
	s15 =	sor.u32 $0x70, s15;
	[tilespmem:v15+s17+$0x0] =	vst.idx.msk $0xffff, v14;
	v14 =	vadd.f32 v25, v17;
	v15 =	vadd.s32 s8, v2;
	v17 =	vld [tilespmem:s21+$0x0]  }
0x52: {  	v23 =	vld [tilespmem:s24+$0xFFFFFF10];
	[tilespmem:v19+s17+$0x0] =	vst.idx.msk $0xffff, v13;
	v13 =	vand.u32 $0x7F, v15;
	v15 =	vmul.f32 v22, v12  }
0x53: {  	v19 =	vld [tilespmem:s24+$0xFFFFFF90];
	[tilespmem:v21+s17+$0x0] =	vst.idx.msk $0xffff, v14;
	v13 =	vor.u32 v3, v13;
	v14 =	vmul.f32 v18, v12  }
0x54: {  	v22 =	vadd.s32 s13, v6;
	s13 =	smov.u32 s11;
	v18 =	vadd.s32 s11, v2;
	s11 =	smov.u32 s2;
	v21 =	vld [tilespmem:s24+$0x10];
	v16 =	vmul.f32 v16, v12  }
0x55: {  	v22 =	vand.u32 $0x7F, v22;
	v18 =	vand.u32 $0x7F, v18;
	v24 =	vld [tilespmem:s20+$0xFFFFFF90];
	v20 =	vmul.f32 v20, v12  }
0x56: {  	v27 =	vadd.s32 s18, v2;
	v25 =	vadd.s32 s22, v2;
	v26 =	vld [tilespmem:s4+$0x0];
	v16 =	vadd.f32 v17, v16  }
0x57: {  	v18 =	vor.u32 v3, v18;
	v17 =	vmul.f32 v23, v12;
	v23 =	vand.u32 $0x7F, v25;
	v25 =	vld [tilespmem:s20+$0x10]  }
0x58: {  	v27 =	vand.u32 $0x7F, v27;
	v19 =	vmul.f32 v19, v12;
	v23 =	vor.u32 v3, v23;
	[tilespmem:v13+s17+$0x0] =	vst.idx.msk $0xffff, v16;
	v13 =	vld [tilespmem:s23+$0xFFFFFFB0]  }
0x59: {  	v28 =	vadd.s32 s9, v6;
	s9 =	smov.u32 s22;
	v16 =	vmul.f32 v21, v12;
	v21 =	vor.u32 v3, v27;
	v27 =	vld [tilespmem:s24+$0xA0]  }
0x5a: {  	v29 =	vadd.s32 s25, v6;
	s25 =	smov.u32 s18;
	v22 =	vor.u32 v7, v22;
	s4 =	sor.u32 $0x60, s14;
	v17 =	vadd.f32 v24, v17;
	v24 =	vld [tilespmem:s16+$0x0];
	s16 =	smov.u32 s15  }
0x5b: {  	v28 =	vand.u32 $0x7F, v28;
	v19 =	vadd.f32 v26, v19;
	v26 =	vadd.s32 s8, v4;
	v30 =	vld [tilespmem:s4+$0x0]  }
0x5c: {  	[tilespmem:v18+s17+$0x0] =	vst.idx.msk $0xffff, v17;
	v16 =	vadd.f32 v25, v16;
	v17 =	vand.u32 $0x7F, v26;
	v18 =	vor.u32 v7, v28;
	v25 =	vld [tilespmem:s23+$0x30];
	s23 =	smov.u32 s20  }
0x5d: {  	v26 =	vld [tilespmem:s24+$0xFFFFFF20];
	[tilespmem:v23+s17+$0x0] =	vst.idx.msk $0xffff, v19;
	v17 =	vor.u32 v5, v17;
	v13 =	vadd.f32 v13, v15;
	v15 =	vand.u32 $0x7F, v29  }
0x5e: {  	v19 =	vld [tilespmem:s24+$0xFFFFFFA0];
	[tilespmem:v21+s17+$0x0] =	vst.idx.msk $0xffff, v16;
	v16 =	vmul.f32 v27, v12;
	v21 =	vor.u32 v7, v15  }
0x5f: {  	v15 =	vadd.s32 s13, v4;
	v27 =	vld [tilespmem:s24+$0x20];
	[tilespmem:v22+s17+$0x0] =	vst.idx.msk $0xffff, v13;
	v13 =	vadd.f32 v24, v14  }
0x60: {  	v14 =	vand.u32 $0x7F, v15;
	v24 =	vld [tilespmem:s20+$0xFFFFFFA0];
	v23 =	vadd.f32 v30, v16  }
.Ltmp0:
0x61: {  	v28 =	vadd.s32 s25, v4;
	v16 =	vadd.s32 s9, v4;
	v15 =	vld [tilespmem:s19+$0x0];
	[tilespmem:v18+s17+$0x0] =	vst.idx.msk $0xffff, v13;
	v18 =	vadd.f32 v25, v20;
	(pc) =	sbr.rel @p2 .LBB2_3-.Ltmp0, $4  }
0x62: {  	v22 =	vor.u32 v5, v14;
	v13 =	vand.u32 $0x7F, v16;
	v25 =	vmul.f32 v26, v12;
	v16 =	vld [tilespmem:s20+$0x20];
	[tilespmem:v17+s17+$0x0] =	vst.idx.msk $0xffff, v23  }
0x63: {  	s24 =	sadd.s32 $0x200, s24;
	v14 =	vand.u32 $0x7F, v28;
	v17 =	vor.u32 v5, v13;
	v20 =	vmul.f32 v19, v12;
	v13 =	vld [tilespmem:s3+$0xB0];
	[tilespmem:v21+s17+$0x0] =	vst.idx.msk $0xffff, v18  }
0x64: {  	s4 =	sor.u32 $0x70, s14;
	v18 =	vor.u32 v5, v14;
	v23 =	vld [tilespmem:s24+$0x80];
	v21 =	vmul.f32 v27, v12  }
0x65: {  	s2 =	sadd.s32 $0x4, s2;
	v19 =	vadd.s32 s8, v6;
	v24 =	vadd.f32 v24, v25;
	v14 =	vld [tilespmem:s4+$0x0]  }
0x66: {  	v25 =	vld [tilespmem:s24+$0xFFFFFF00]  }
0x67: {  	s2 =	sadd.s32 $0x100, s20;
	s18 =	sadd.s32 $0x3, s11;
	v28 =	vld [tilespmem:s24+$0xFFFFFF80]  }
0x68: {  	v26 =	vld [tilespmem:s2+$0x40];
	v27 =	vadd.s32 s18, v0  }
0x69: {  	v30 =	vld [tilespmem:s24+$0x0];
	v27 =	vand.u32 $0x7F, v27  }
0x6a: {  	v29 =	vadd.s32 s11, v0;
	s20 =	sadd.s32 $0x1, s11;
	v31 =	vld [tilespmem:s2+$0xFFFFFF80];
	v27 =	vor.u32 v1, v27  }
0x6b: {  	v29 =	vand.u32 $0x7F, v29;
	v32 =	vadd.s32 s20, v0;
	v33 =	vld [tilespmem:s2+$0xFFFFFFC0];
	v23 =	vmul.f32 v23, v12  }
0x6c: {  	v29 =	vor.u32 v1, v29;
	v32 =	vand.u32 $0x7F, v32  }
0x6d: {  	s8 =	sadd.s32 $0x2, s11;
	v35 =	vld [tilespmem:s2+$0x0];
	v25 =	vmul.f32 v25, v12;
	v23 =	vadd.f32 v26, v23;
	v26 =	vor.u32 v1, v32  }
0x6e: {  	v34 =	vadd.s32 s8, v0;
	[tilespmem:v22+s17+$0x0] =	vst.idx.msk $0xffff, v24;
	v22 =	vmul.f32 v28, v12  }
0x6f: {  	s19 =	sadd.s32 $0x100, s14;
	v51 =	vand.u32 $0x7F, v34;
	[tilespmem:v27+s17+$0x0] =	vst.idx.msk $0xffff, v23;
	v23 =	vadd.f32 v31, v25  }
0x70: {  	s4 =	sor.u32 $0x50, s19;
	v24 =	vor.u32 v1, v51;
	v30 =	vmul.f32 v30, v12;
	v22 =	vadd.f32 v33, v22;
	v25 =	vld [tilespmem:s24+$0x90]  }
0x71: {  	v27 =	vld [tilespmem:s4+$0x0];
	[tilespmem:v29+s17+$0x0] =	vst.idx.msk $0xffff, v23  }
0x72: {  	s14 =	sadd.s32 $0xFFFFFF80, s19;
	v23 =	vadd.f32 v35, v30;
	v29 =	vadd.s32 s18, v2;
	v30 =	vld [tilespmem:s24+$0xFFFFFF10];
	[tilespmem:v26+s17+$0x0] =	vst.idx.msk $0xffff, v22  }
0x73: {  	s15 =	sor.u32 $0x50, s14;
	v22 =	vand.u32 $0x7F, v29;
	v26 =	vld [tilespmem:s24+$0xFFFFFF90]  }
0x74: {  	v15 =	vadd.f32 v15, v20;
	v16 =	vadd.f32 v16, v21;
	v20 =	vor.u32 v3, v22;
	v21 =	vld [tilespmem:s15+$0x0]  }
0x75: {  	[tilespmem:v24+s17+$0x0] =	vst.idx.msk $0xffff, v23;
	v23 =	vadd.s32 s11, v2;
	v24 =	vmul.f32 v25, v12;
	v25 =	vld [tilespmem:s2+$0xFFFFFF90]  }
0x76: {  	[tilespmem:v17+s17+$0x0] =	vst.idx.msk $0xffff, v15;
	v17 =	vadd.s32 s20, v2;
	v22 =	vld [tilespmem:s24+$0x10];
	v15 =	vand.u32 $0x7F, v23  }
0x77: {  	v17 =	vand.u32 $0x7F, v17;
	v28 =	vld [tilespmem:s3+$0xFFFFFF30];
	v15 =	vor.u32 v3, v15;
	v24 =	vadd.f32 v27, v24  }
0x78: {  	[tilespmem:v18+s17+$0x0] =	vst.idx.msk $0xffff, v16;
	v16 =	vadd.s32 s8, v2;
	v17 =	vor.u32 v3, v17;
	v18 =	vmul.f32 v30, v12;
	v27 =	vld [tilespmem:s2+$0x10]  }
0x79: {  	v16 =	vand.u32 $0x7F, v16;
	v29 =	vld [tilespmem:s3+$0x30];
	v26 =	vmul.f32 v26, v12;
	[tilespmem:v20+s17+$0x0] =	vst.idx.msk $0xffff, v24  }
0x7a: {  	v16 =	vor.u32 v3, v16;
	v20 =	vld [tilespmem:s24+$0xA0];
	v18 =	vadd.f32 v25, v18  }
0x7b: {  	s21 =	sor.u32 $0x60, s19;
	v23 =	vld [tilespmem:s3+$0xFFFFFFB0];
	v22 =	vmul.f32 v22, v12;
	v21 =	vadd.f32 v21, v26  }
0x7c: {  	v19 =	vand.u32 $0x7F, v19;
	v25 =	vadd.s32 s18, v4;
	v26 =	vld [tilespmem:s21+$0x0];
	[tilespmem:v15+s17+$0x0] =	vst.idx.msk $0xffff, v18  }
0x7d: {  	v13 =	vmul.f32 v13, v12;
	v15 =	vadd.f32 v27, v22;
	v18 =	vand.u32 $0x7F, v25;
	[tilespmem:v17+s17+$0x0] =	vst.idx.msk $0xffff, v21;
	v22 =	vld [tilespmem:s24+$0xFFFFFF20]  }
0x7e: {  	v17 =	vor.u32 v7, v19;
	v18 =	vor.u32 v5, v18;
	v19 =	vld [tilespmem:s24+$0xFFFFFFA0]  }
0x7f: {  	v13 =	vadd.f32 v14, v13;
	[tilespmem:v16+s17+$0x0] =	vst.idx.msk $0xffff, v15;
	v15 =	vadd.s32 s11, v4;
	v16 =	vld [tilespmem:s2+$0xFFFFFFA0];
	v14 =	vmul.f32 v20, v12  }
0x80: {  	s22 =	sor.u32 $0x60, s14;
	v21 =	vmul.f32 v23, v12;
	v25 =	vadd.s32 s20, v4;
	v23 =	vld [tilespmem:s24+$0x20];
	v15 =	vand.u32 $0x7F, v15  }
0x81: {  	v27 =	vadd.s32 s8, v4;
	v15 =	vor.u32 v5, v15;
	v14 =	vadd.f32 v26, v14;
	v26 =	vld [tilespmem:s22+$0x0]  }
0x82: {  	v25 =	vand.u32 $0x7F, v25;
	v20 =	vmul.f32 v28, v12;
	v28 =	vld [tilespmem:s2+$0x20];
	v22 =	vmul.f32 v22, v12  }
0x83: {  	v30 =	vadd.s32 s13, v6;
	v24 =	vld [tilespmem:s23+$0xFFFFFFB0];
	[tilespmem:v18+s17+$0x0] =	vst.idx.msk $0xffff, v14;
	v14 =	vor.u32 v5, v25;
	v18 =	vand.u32 $0x7F, v27  }
0x84: {  	v19 =	vmul.f32 v19, v12;
	v25 =	vld [tilespmem:s24+$0xB0];
	v18 =	vor.u32 v5, v18;
	v16 =	vadd.f32 v16, v22  }
0x85: {  	v27 =	vmul.f32 v29, v12;
	v29 =	vld [tilespmem:s23+$0x30];
	v22 =	vand.u32 $0x7F, v30;
	v23 =	vmul.f32 v23, v12  }
0x86: {  	v31 =	vld [tilespmem:s16+$0x0];
	v30 =	vadd.s32 s9, v6;
	v22 =	vor.u32 v7, v22;
	v19 =	vadd.f32 v26, v19;
	[tilespmem:v15+s17+$0x0] =	vst.idx.msk $0xffff, v16  }
0x87: {  	s23 =	sor.u32 $0x70, s19;
	v15 =	vadd.s32 s25, v6;
	v16 =	vand.u32 $0x7F, v30;
	v23 =	vadd.f32 v28, v23;
	v26 =	vld [tilespmem:s24+$0xFFFFFF30]  }
0x88: {  	v20 =	vadd.f32 v24, v20;
	v52 =	vld [tilespmem:s23+$0x0];
	v16 =	vor.u32 v7, v16;
	v15 =	vand.u32 $0x7F, v15;
	[tilespmem:v14+s17+$0x0] =	vst.idx.msk $0xffff, v19  }
0x89: {  	v14 =	vor.u32 v7, v15;
	v15 =	vadd.s32 s18, v6;
	v19 =	vmul.f32 v25, v12;
	[tilespmem:v18+s17+$0x0] =	vst.idx.msk $0xffff, v23;
	v18 =	vld [tilespmem:s24+$0xFFFFFFB0]  }
0x8a: {  	v23 =	vadd.f32 v29, v27;
	v15 =	vand.u32 $0x7F, v15;
	v25 =	vadd.s32 s11, v6;
	v27 =	vld [tilespmem:s2+$0xFFFFFFB0]  }
0x8b: {  	v21 =	vadd.f32 v31, v21;
	[tilespmem:v17+s17+$0x0] =	vst.idx.msk $0xffff, v13;
	s25 =	sor.u32 $0x70, s14;
	v24 =	vld [tilespmem:s24+$0x30];
	v15 =	vor.u32 v7, v15;
	v17 =	vand.u32 $0x7F, v25  }
0x8c: {  	v25 =	vadd.s32 s20, v6;
	[tilespmem:v22+s17+$0x0] =	vst.idx.msk $0xffff, v20;
	v20 =	vadd.s32 s8, v6;
	v13 =	vmul.f32 v26, v12;
	v26 =	vld [tilespmem:s25+$0x0]  }
0x8d: {  	v19 =	vadd.f32 v52, v19;
	v17 =	vor.u32 v7, v17;
	v22 =	vand.u32 $0x7F, v25;
	v25 =	vld [tilespmem:s2+$0x30]  }
0x8e: {  	s4 =	simm.s32 $0x0;
	v20 =	vand.u32 $0x7F, v20;
	[tilespmem:v16+s17+$0x0] =	vst.idx.msk $0xffff, v21;
	v16 =	vor.u32 v7, v22;
	v21 =	vmov s12  }
0x8f: {  	[tilespmem:v14+s17+$0x0] =	vst.idx.msk $0xffff, v23;
	v14 =	vmul.f32 v18, v12;
	v18 =	vor.u32 v7, v20;
	v20 =	vadd.s32 s4, v21  }
0x90: {  	v13 =	vadd.f32 v27, v13;
	v21 =	vmul.f32 v24, v12;
	v22 =	vadd.s32 v0, v20  }
0x91: {  	[tilespmem:v15+s17+$0x0] =	vst.idx.msk $0xffff, v19;
	v14 =	vadd.f32 v26, v14  }
0x92: {  	s15 =	simm.s32 $0x1;
	[tilespmem:v17+s17+$0x0] =	vst.idx.msk $0xffff, v13;
	v13 =	vadd.f32 v25, v21  }
0x93: {  	s16 =	simm.s32 $0x80;
	[tilespmem:v16+s17+$0x0] =	vst.idx.msk $0xffff, v14;
	v14 =	vmov s15  }
0x94: {  	[tilespmem:v18+s17+$0x0] =	vst.idx.msk $0xffff, v13;
	v13 =	vadd.s32 s16, v14  }
0x95: {  	s19 =	simm.s32 $0x100;
	v14 =	vmov s6;
	v16 =	vld.idx.msk [tilespmem:v22+s17+$0x0], $0xffff;
	v15 =	vadd.s32 v0, v13  }
0x96: {  	v17 =	vmov s5;
	v18 =	vadd.s32 v2, v20;
	v14 =	vadd.s32 s19, v14  }
0x97: {  	v17 =	vadd.s32 s7, v17;
	v19 =	vadd.s32 v0, v14  }
0x98: {  	v21 =	vadd.s32 v0, v17;
	_ =	sdelay $0x1  }
0x99: {  	[tilespmem:s10+$0xFFFFFF00] =	vst v16;
	v15 =	vld.idx.msk [tilespmem:v15+s17+$0x0], $0xffff  }
0x9a: {  	v16 =	vadd.s32 v2, v13;
	v18 =	vld.idx.msk [tilespmem:v18+s17+$0x0], $0xffff  }
0x9b: {  	v22 =	vadd.s32 v4, v20;
	v19 =	vld.idx.msk [tilespmem:v19+s17+$0x0], $0xffff  }
0x9c: {  	v23 =	vadd.s32 v2, v14;
	v21 =	vld.idx.msk [tilespmem:v21+s17+$0x0], $0xffff  }
0x9d: {  	v24 =	vadd.s32 v2, v17  }
0x9e: {  	[tilespmem:s10+$0xFFFFFF80] =	vst v15  }
0x9f: {  	[tilespmem:s10+$0xFFFFFF10] =	vst v18;
	v15 =	vld.idx.msk [tilespmem:v16+s17+$0x0], $0xffff  }
0xa0: {  	[tilespmem:s10+$0x0] =	vst v19;
	v16 =	vadd.s32 v4, v13;
	v18 =	vld.idx.msk [tilespmem:v22+s17+$0x0], $0xffff  }
0xa1: {  	s22 =	simm.s32 $0x5;
	v20 =	vadd.s32 v6, v20;
	[tilespmem:s10+$0x80] =	vst v21;
	v19 =	vld.idx.msk [tilespmem:v23+s17+$0x0], $0xffff  }
0xa2: {  	s23 =	simm.s32 $0x280;
	v28 =	vadd.s32 s5, v9;
	v29 =	vmov s22;
	v22 =	vadd.s32 v4, v14;
	v23 =	vld.idx.msk [tilespmem:v24+s17+$0x0], $0xffff  }
0xa3: {  	v31 =	vadd.s32 s23, v29;
	v25 =	vadd.s32 v4, v17;
	v24 =	vadd.s32 s6, v8  }
0xa4: {  	v26 =	vadd.s32 s5, v8;
	v17 =	vadd.s32 v6, v17;
	v24 =	vand.u32 $0x7F, v24;
	[tilespmem:s10+$0xFFFFFF90] =	vst v15  }
0xa5: {  	v15 =	vor.u32 s19, v24;
	v24 =	vand.u32 $0x7F, v26;
	[tilespmem:s10+$0xFFFFFF20] =	vst v18;
	v18 =	vadd.s32 s12, v8;
	v16 =	vld.idx.msk [tilespmem:v16+s17+$0x0], $0xffff  }
0xa6: {  	v26 =	vadd.s32 s15, v9;
	[tilespmem:s10+$0x10] =	vst v19;
	v19 =	vadd.s32 v6, v13;
	v20 =	vld.idx.msk [tilespmem:v20+s17+$0x0], $0xffff;
	v13 =	vand.u32 $0x7F, v18  }
0xa7: {  	v14 =	vadd.s32 v6, v14;
	v26 =	vand.u32 $0x7F, v26;
	[tilespmem:s10+$0x90] =	vst v23;
	v22 =	vld.idx.msk [tilespmem:v22+s17+$0x0], $0xffff;
	v27 =	vor.u32 s4, v13  }
0xa8: {  	s9 =	simm.s32 $0x200;
	s20 =	simm.s32 $0x6;
	v18 =	vadd.s32 s6, v9;
	v23 =	vor.u32 s16, v26;
	v13 =	vmov s0;
	v25 =	vld.idx.msk [tilespmem:v25+s17+$0x0], $0xffff  }
0xa9: {  	v18 =	vand.u32 $0x7F, v18;
	v26 =	vadd.s32 s9, v13;
	v13 =	vmov s20  }
0xaa: {  	s21 =	simm.s32 $0x300;
	v30 =	vor.u32 s19, v18;
	v18 =	vand.u32 $0x7F, v28;
	v28 =	vadd.s32 v0, v31;
	[tilespmem:s10+$0xFFFFFFA0] =	vst v16  }
0xab: {  	v21 =	vadd.s32 s15, v8;
	v13 =	vadd.s32 s21, v13;
	v16 =	vadd.s32 v0, v26;
	[tilespmem:s10+$0xFFFFFF30] =	vst v20;
	v19 =	vld.idx.msk [tilespmem:v19+s17+$0x0], $0xffff  }
0xac: {  	v29 =	vadd.s32 s12, v9;
	v21 =	vand.u32 $0x7F, v21;
	v20 =	vadd.s32 v0, v13;
	[tilespmem:s10+$0x20] =	vst v22;
	v22 =	vld.idx.msk [tilespmem:v27+s17+$0x0], $0xffff  }
0xad: {  	v29 =	vand.u32 $0x7F, v29;
	v21 =	vor.u32 s16, v21;
	[tilespmem:s10+$0xA0] =	vst v25;
	v14 =	vld.idx.msk [tilespmem:v14+s17+$0x0], $0xffff  }
0xae: {  	v54 =	vadd.s32 s5, v10;
	v29 =	vor.u32 s4, v29;
	v25 =	vadd.s32 s15, v11;
	v17 =	vld.idx.msk [tilespmem:v17+s17+$0x0], $0xffff  }
0xaf: {  	v53 =	vadd.s32 s6, v10;
	v33 =	vand.u32 $0x7F, v54;
	v25 =	vand.u32 $0x7F, v25;
	v28 =	vld.idx.msk [tilespmem:v28+s17+$0x0], $0xffff  }
0xb0: {  	s25 =	simm.s32 $0x7;
	v27 =	vadd.s32 s15, v10;
	v39 =	vor.u32 s16, v25;
	v25 =	vadd.s32 v2, v31;
	v55 =	vld.idx.msk [tilespmem:v16+s17+$0x0], $0xffff;
	[tilespmem:s10+$0xFFFFFFB0] =	vst v19  }
0xb1: {  	s24 =	simm.s32 $0x380;
	v27 =	vand.u32 $0x7F, v27;
	v16 =	vmov s25;
	v20 =	vld.idx.msk [tilespmem:v20+s17+$0x0], $0xffff;
	v19 =	vor.u32 s7, v24;
	[tilespmem:s10+$0xFFFFFF40] =	vst v22  }
0xb2: {  	v24 =	vor.u32 s16, v27;
	v16 =	vadd.s32 s24, v16;
	v27 =	vadd.s32 v2, v26;
	v21 =	vld.idx.msk [tilespmem:v21+s17+$0x0], $0xffff;
	[tilespmem:s10+$0x30] =	vst v14  }
0xb3: {  	v63 =	vadd.s32 s12, v11;
	v33 =	vor.u32 s7, v33;
	s3 =	simm.s32 $0x16300;
	v56 =	vadd.s32 v0, v16;
	v29 =	vld.idx.msk [tilespmem:v29+s17+$0x0], $0xffff;
	[tilespmem:s10+$0xB0] =	vst v17  }
0xb4: {  	v32 =	vand.u32 $0x7F, v53;
	v60 =	vadd.s32 s22, v11;
	v17 =	vadd.s32 s5, v11;
	[tilespmem:s3+$0xFFFFFF80] =	vst v28;
	v22 =	vld.idx.msk [tilespmem:v15+s17+$0x0], $0xffff  }
0xb5: {  	v32 =	vor.u32 s19, v32;
	v40 =	vand.u32 $0x7F, v17;
	v17 =	vadd.s32 s12, v10;
	v25 =	vld.idx.msk [tilespmem:v25+s17+$0x0], $0xffff;
	[tilespmem:s3+$0xFFFFFF00] =	vst v55  }
0xb6: {  	v57 =	vadd.s32 s20, v8;
	v17 =	vand.u32 $0x7F, v17;
	[tilespmem:s3+$0x0] =	vst v20;
	v20 =	vadd.s32 v2, v13;
	v19 =	vld.idx.msk [tilespmem:v19+s17+$0x0], $0xffff  }
0xb7: {  	v62 =	vadd.s32 s25, v10;
	v36 =	vor.u32 s7, v18;
	v58 =	vor.u32 s4, v17;
	v27 =	vld.idx.msk [tilespmem:v27+s17+$0x0], $0xffff  }
0xb8: {  	v37 =	vadd.s32 v4, v26;
	v18 =	vand.u32 $0x7F, v57;
	v43 =	vadd.s32 v6, v26;
	v35 =	vld.idx.msk [tilespmem:v56+s17+$0x0], $0xffff;
	[tilespmem:s10+$0xFFFFFFC0] =	vst v21  }
0xb9: {  	v18 =	vor.u32 s21, v18;
	v61 =	vadd.s32 v4, v13;
	v14 =	vadd.s32 s6, v11;
	v28 =	vld.idx.msk [tilespmem:v23+s17+$0x0], $0xffff;
	[tilespmem:s10+$0x40] =	vst v22  }
0xba: {  	v26 =	vand.u32 $0x7F, v62;
	v14 =	vand.u32 $0x7F, v14;
	v15 =	vadd.s32 s22, v8;
	[tilespmem:s10+$0xFFFFFF50] =	vst v29;
	v29 =	vld.idx.msk [tilespmem:v30+s17+$0x0], $0xffff  }
0xbb: {  	v14 =	vor.u32 s19, v14;
	v15 =	vand.u32 $0x7F, v15;
	[tilespmem:s3+$0xFFFFFF90] =	vst v25;
	v30 =	vadd.s32 v4, v31;
	v38 =	vld.idx.msk [tilespmem:v20+s17+$0x0], $0xffff  }
0xbc: {  	v41 =	vadd.s32 v2, v16;
	v15 =	vor.u32 s23, v15;
	v23 =	vadd.s32 s22, v9;
	v42 =	vld.idx.msk [tilespmem:v58+s17+$0x0], $0xffff;
	[tilespmem:s10+$0xC0] =	vst v19  }
0xbd: {  	v21 =	vadd.s32 s25, v8;
	v22 =	vadd.s32 s20, v9;
	v17 =	vand.u32 $0x7F, v23;
	[tilespmem:s3+$0xFFFFFF10] =	vst v27;
	v27 =	vld.idx.msk [tilespmem:v36+s17+$0x0], $0xffff  }
0xbe: {  	v25 =	vadd.s32 s20, v11;
	v17 =	vor.u32 s23, v17;
	v19 =	vand.u32 $0x7F, v22;
	v59 =	vld.idx.msk [tilespmem:v37+s17+$0x0], $0xffff;
	[tilespmem:s10+$0xFFFFFFD0] =	vst v28  }
0xbf: {  	v25 =	vand.u32 $0x7F, v25;
	v22 =	vadd.s32 s25, v9;
	v20 =	vor.u32 s21, v19;
	[tilespmem:s3+$0x80] =	vst v35;
	v44 =	vld.idx.msk [tilespmem:v24+s17+$0x0], $0xffff  }
0xc0: {  	v23 =	vand.u32 $0x7F, v22;
	v19 =	vadd.s32 s22, v10;
	v22 =	vadd.s32 s20, v10;
	v45 =	vld.idx.msk [tilespmem:v30+s17+$0x0], $0xffff;
	[tilespmem:s10+$0x50] =	vst v29  }
0xc1: {  	v37 =	vadd.s32 v4, v16;
	v19 =	vand.u32 $0x7F, v19;
	v24 =	vand.u32 $0x7F, v22;
	v29 =	vld.idx.msk [tilespmem:v41+s17+$0x0], $0xffff;
	[tilespmem:s3+$0x10] =	vst v38  }
0xc2: {  	v22 =	vor.u32 s23, v19;
	v19 =	vand.u32 $0x7F, v60;
	v30 =	vadd.s32 s25, v11;
	v28 =	vld.idx.msk [tilespmem:v32+s17+$0x0], $0xffff;
	[tilespmem:s10+$0xFFFFFF60] =	vst v42  }
0xc3: {  	v24 =	vor.u32 s21, v24;
	v32 =	vand.u32 $0x7F, v63;
	v38 =	vadd.s32 v6, v31;
	v35 =	vld.idx.msk [tilespmem:v61+s17+$0x0], $0xffff;
	[tilespmem:s3+$0xFFFFFF20] =	vst v59  }
0xc4: {  	[tilespmem:s10+$0xD0] =	vst v27;
	v27 =	vor.u32 s21, v25;
	v25 =	vand.u32 $0x7F, v30;
	v30 =	vadd.s32 s0, v8;
	v34 =	vld.idx.msk [tilespmem:v43+s17+$0x0], $0xffff  }
0xc5: {  	v19 =	vor.u32 s23, v19;
	v31 =	vand.u32 $0x7F, v30;
	v30 =	vor.u32 s4, v32;
	v33 =	vld.idx.msk [tilespmem:v33+s17+$0x0], $0xffff;
	[tilespmem:s10+$0xFFFFFFE0] =	vst v44  }
0xc6: {  	s8 =	simm.s32 $0x8;
	s5 =	simm.s32 $0x580;
	v21 =	vand.u32 $0x7F, v21;
	v36 =	vor.u32 s9, v31;
	[tilespmem:s3+$0xFFFFFFA0] =	vst v45;
	v31 =	vor.u32 s7, v40;
	v32 =	vld.idx.msk [tilespmem:v39+s17+$0x0], $0xffff  }
.LBB2_5:
0xc7: {  	s6 =	sadd.s32 $0xFFFFFE80, s5  }
0xc8: {  	v39 =	vmov s8;
	s14 =	sadd.s32 $0x1, s8;
	v38 =	vld.idx.msk [tilespmem:v38+s17+$0x0], $0xffff;
	[tilespmem:s3+$0x90] =	vst v29;
	v40 =	vadd.s32 v6, v16;
	s7 =	smov.u32 s8;
	s2 =	sadd.s32 $0x4, s8  }
0xc9: {  	s11 =	sadd.s32 $0xFFFFFF00, s5;
	p2 =	slt.u32 s8, $0x3C;
	v29 =	vadd.s32 s6, v39;
	v16 =	vmov s14;
	s13 =	sadd.s32 $0x2, s7;
	v39 =	vadd.s32 v6, v13;
	v37 =	vld.idx.msk [tilespmem:v37+s17+$0x0], $0xffff;
	[tilespmem:s10+$0x60] =	vst v28  }
0xca: {  	s8 =	sadd.s32 $0xFFFFFF80, s5;
	s12 =	sadd.s32 $0x3, s7;
	v41 =	vadd.s32 v0, v29;
	v28 =	vadd.s32 s11, v16;
	v13 =	vmov s13;
	[tilespmem:s3+$0x20] =	vst v35;
	v35 =	vld.idx.msk [tilespmem:v14+s17+$0x0], $0xffff;
	v14 =	vmovc v27  }
0xcb: {  	v16 =	vmov s12;
	v27 =	vadd.s32 v0, v28;
	v13 =	vadd.s32 s8, v13;
	[tilespmem:s3+$0xFFFFFF30] =	vst v34;
	v30 =	vld.idx.msk [tilespmem:v30+s17+$0x0], $0xffff  }
0xcc: {  	v34 =	vadd.s32 s14, v8;
	v16 =	vadd.s32 s5, v16;
	v42 =	vadd.s32 v0, v13;
	v36 =	vld.idx.msk [tilespmem:v36+s17+$0x0], $0xffff;
	[tilespmem:s10+$0xE0] =	vst v33  }
0xcd: {  	v33 =	vand.u32 $0x7F, v34;
	v34 =	vadd.s32 s13, v8;
	v43 =	vadd.s32 v0, v16;
	[tilespmem:s10+$0xFFFFFFF0] =	vst v32;
	v31 =	vld.idx.msk [tilespmem:v31+s17+$0x0], $0xffff  }
0xce: {  	v32 =	vor.u32 s11, v33;
	v33 =	vand.u32 $0x7F, v34;
	v34 =	vadd.s32 s12, v8;
	[tilespmem:s3+$0xFFFFFFB0] =	vst v38;
	v38 =	vld.idx.msk [tilespmem:v39+s17+$0x0], $0xffff  }
0xcf: {  	v33 =	vor.u32 s8, v33;
	v34 =	vand.u32 $0x7F, v34;
	v39 =	vadd.s32 s0, v9;
	[tilespmem:s3+$0xA0] =	vst v37  }
0xd0: {  	v44 =	vadd.s32 s13, v9;
	v37 =	vadd.s32 s14, v9;
	v39 =	vand.u32 $0x7F, v39;
	v40 =	vld.idx.msk [tilespmem:v40+s17+$0x0], $0xffff;
	[tilespmem:s10+$0x70] =	vst v35  }
0xd1: {  	v37 =	vand.u32 $0x7F, v37;
	v39 =	vor.u32 s9, v39;
	v35 =	vld.idx.msk [tilespmem:v41+s17+$0x0], $0xffff;
	v41 =	vor.u32 s24, v21;
	[tilespmem:s10+$0xFFFFFF70] =	vst v30;
	v21 =	vmovc v34  }
0xd2: {  	v30 =	vor.u32 s11, v37;
	v37 =	vand.u32 $0x7F, v44;
	v34 =	vld.idx.msk [tilespmem:v42+s17+$0x0], $0xffff;
	v42 =	vadd.s32 s12, v9;
	[tilespmem:s3+$0xFFFFFF40] =	vst v36  }
0xd3: {  	v36 =	vadd.s32 v2, v29;
	v37 =	vor.u32 s8, v37;
	v42 =	vand.u32 $0x7F, v42;
	v44 =	vld.idx.msk [tilespmem:v15+s17+$0x0], $0xffff;
	[tilespmem:s10+$0xF0] =	vst v31;
	v15 =	vmovc v32;
	s10 =	smov.u32 s3  }
0xd4: {  	v45 =	vadd.s32 s13, v10;
	v31 =	vadd.s32 s14, v10;
	v32 =	vadd.s32 s14, v11;
	s3 =	sadd.s32 $0x200, s3;
	v27 =	vld.idx.msk [tilespmem:v27+s17+$0x0], $0xffff;
	[tilespmem:s10+$0x30] =	vst v38  }
0xd5: {  	v31 =	vand.u32 $0x7F, v31;
	v38 =	vand.u32 $0x7F, v45;
	v45 =	vadd.s32 s12, v10;
	v46 =	vld.idx.msk [tilespmem:v18+s17+$0x0], $0xffff;
	v18 =	vmovc v33  }
0xd6: {  	v33 =	vadd.s32 v2, v28;
	v31 =	vor.u32 s11, v31;
	v47 =	vor.u32 s8, v38;
	v38 =	vld.idx.msk [tilespmem:v39+s17+$0x0], $0xffff;
	[tilespmem:s10+$0xB0] =	vst v40  }
0xd7: {  	v32 =	vand.u32 $0x7F, v32;
	v39 =	vand.u32 $0x7F, v45;
	[tilespmem:s3+$0xFFFFFF00] =	vst v35;
	v35 =	vadd.s32 s13, v11;
	v40 =	vld.idx.msk [tilespmem:v41+s17+$0x0], $0xffff  }
0xd8: {  	v41 =	vor.u32 s11, v32;
	v32 =	vadd.s32 v2, v13;
	v36 =	vld.idx.msk [tilespmem:v36+s17+$0x0], $0xffff;
	[tilespmem:s3+$0x0] =	vst v34;
	v34 =	vor.u32 s24, v23;
	v23 =	vmovc v42  }
0xd9: {  	v45 =	vadd.s32 s0, v10;
	v35 =	vand.u32 $0x7F, v35;
	v42 =	vld.idx.msk [tilespmem:v43+s17+$0x0], $0xffff;
	v43 =	vadd.s32 s12, v11;
	[tilespmem:s10+$0xFFFFFFC0] =	vst v44  }
0xda: {  	v44 =	vadd.s32 v4, v29;
	[tilespmem:s3+$0xFFFFFF80] =	vst v27;
	v27 =	vor.u32 s8, v35;
	v35 =	vand.u32 $0x7F, v45;
	v45 =	vld.idx.msk [tilespmem:v17+s17+$0x0], $0xffff;
	v17 =	vmovc v30  }
0xdb: {  	v43 =	vand.u32 $0x7F, v43;
	v30 =	vld.idx.msk [tilespmem:v33+s17+$0x0], $0xffff;
	v33 =	vor.u32 s9, v35;
	[tilespmem:s10+$0x40] =	vst v46  }
0xdc: {  	[tilespmem:s10+$0xFFFFFF50] =	vst v38;
	v35 =	vld.idx.msk [tilespmem:v20+s17+$0x0], $0xffff;
	v20 =	vmov v37  }
0xdd: {  	v37 =	vadd.s32 v4, v28;
	v38 =	vadd.s32 v2, v16;
	v32 =	vld.idx.msk [tilespmem:v32+s17+$0x0], $0xffff;
	[tilespmem:s10+$0xC0] =	vst v40  }
0xde: {  	[tilespmem:s3+$0xFFFFFF10] =	vst v36;
	v34 =	vld.idx.msk [tilespmem:v34+s17+$0x0], $0xffff  }
0xdf: {  	v36 =	vld.idx.msk [tilespmem:v44+s17+$0x0], $0xffff;
	[tilespmem:s3+$0x80] =	vst v42  }
0xe0: {  	v40 =	vadd.s32 v4, v13;
	v33 =	vld.idx.msk [tilespmem:v33+s17+$0x0], $0xffff;
	[tilespmem:s10+$0xFFFFFFD0] =	vst v45  }
0xe1: {  	v42 =	vadd.s32 v6, v29;
	v45 =	vor.u32 s24, v26;
	v26 =	vmovc v39;
	[tilespmem:s3+$0xFFFFFF90] =	vst v30;
	v44 =	vld.idx.msk [tilespmem:v22+s17+$0x0], $0xffff;
	v22 =	vmov v31  }
0xe2: {  	v31 =	vld.idx.msk [tilespmem:v37+s17+$0x0], $0xffff;
	[tilespmem:s10+$0x50] =	vst v35  }
0xe3: {  	[tilespmem:s3+$0x10] =	vst v32;
	v29 =	vld.idx.msk [tilespmem:v38+s17+$0x0], $0xffff  }
.Ltmp1:
0xe4: {  	v37 =	vadd.s32 v4, v16;
	v38 =	vadd.s32 v6, v28;
	v28 =	vld.idx.msk [tilespmem:v24+s17+$0x0], $0xffff;
	[tilespmem:s10+$0xD0] =	vst v34;
	v24 =	vmov v47;
	(pc) =	sbr.rel @p2 .LBB2_5-.Ltmp1, $4  }
0xe5: {  	v30 =	vadd.s32 s0, v11;
	s0 =	smov.u32 s7;
	[tilespmem:s3+$0xFFFFFF20] =	vst v36;
	v35 =	vld.idx.msk [tilespmem:v40+s17+$0x0], $0xffff  }
0xe6: {  	v30 =	vand.u32 $0x7F, v30;
	v32 =	vadd.s32 s0, v8;
	v34 =	vld.idx.msk [tilespmem:v42+s17+$0x0], $0xffff;
	[tilespmem:s10+$0xFFFFFF60] =	vst v33  }
0xe7: {  	v30 =	vor.u32 s9, v30;
	s9 =	smov.u32 s6;
	v32 =	vand.u32 $0x7F, v32;
	[tilespmem:s10+$0xFFFFFFE0] =	vst v44;
	v33 =	vld.idx.msk [tilespmem:v45+s17+$0x0], $0xffff  }
0xe8: {  	s8 =	smov.u32 s2;
	v36 =	vor.u32 s9, v32;
	[tilespmem:s3+$0xFFFFFFA0] =	vst v31;
	v32 =	vld.idx.msk [tilespmem:v19+s17+$0x0], $0xffff;
	v31 =	vor.u32 s24, v25;
	v19 =	vmovc v41;
	v25 =	vmov v43;
	s24 =	smov.u32 s5;
	s5 =	sadd.s32 $0x200, s5  }
0xe9: {  	_ = 	snop  }
0xea: {  	v13 =	vadd.s32 v6, v13;
	_ =	sdelay $0x1  }
0xeb: {  	[tilespmem:s3+$0x90] =	vst v29  }
0xec: {  	v29 =	vld.idx.msk [tilespmem:v37+s17+$0x0], $0xffff  }
0xed: {  	v16 =	vadd.s32 v6, v16;
	v52 =	vld.idx.msk [tilespmem:v38+s17+$0x0], $0xffff;
	[tilespmem:s3+$0x20] =	vst v35  }
0xee: {  	v13 =	vld.idx.msk [tilespmem:v13+s17+$0x0], $0xffff;
	_ =	sdelay $0x2  }
0xef: {  	[tilespmem:s3+$0xA0] =	vst v29  }
0xf0: {  	[tilespmem:s3+$0xFFFFFFB0] =	vst v52;
	v16 =	vld.idx.msk [tilespmem:v16+s17+$0x0], $0xffff  }
0xf1: {  	v21 =	vor.u32 s24, v21;
	v15 =	vld.idx.msk [tilespmem:v15+s17+$0x0], $0xffff;
	[tilespmem:s3+$0x30] =	vst v13  }
0xf2: {  	[tilespmem:s3+$0xFFFFFF30] =	vst v34;
	v13 =	vadd.s32 s0, v9;
	v18 =	vld.idx.msk [tilespmem:v18+s17+$0x0], $0xffff  }
0xf3: {  	v53 =	vld.idx.msk [tilespmem:v36+s17+$0x0], $0xffff;
	v13 =	vand.u32 $0x7F, v13  }
0xf4: {  	v13 =	vor.u32 s9, v13  }
0xf5: {  	[tilespmem:s3+$0xB0] =	vst v16  }
0xf6: {  	[tilespmem:s3+$0xFFFFFFC0] =	vst v15;
	v16 =	vld.idx.msk [tilespmem:v21+s17+$0x0], $0xffff  }
0xf7: {  	v54 =	vor.u32 s24, v23;
	v15 =	vld.idx.msk [tilespmem:v17+s17+$0x0], $0xffff;
	[tilespmem:s3+$0x40] =	vst v18  }
0xf8: {  	v55 =	vadd.s32 s0, v10;
	[tilespmem:s3+$0xFFFFFF40] =	vst v53;
	v18 =	vld.idx.msk [tilespmem:v20+s17+$0x0], $0xffff  }
0xf9: {  	[tilespmem:s10+$0x60] =	vst v28;
	v17 =	vand.u32 $0x7F, v55;
	v13 =	vld.idx.msk [tilespmem:v13+s17+$0x0], $0xffff  }
0xfa: {  	[tilespmem:s10+$0xE0] =	vst v33;
	v56 =	vor.u32 s9, v17  }
0xfb: {  	v14 =	vld.idx.msk [tilespmem:v14+s17+$0x0], $0xffff;
	[tilespmem:s3+$0xC0] =	vst v16  }
0xfc: {  	[tilespmem:s3+$0xFFFFFFD0] =	vst v15;
	v57 =	vld.idx.msk [tilespmem:v54+s17+$0x0], $0xffff  }
0xfd: {  	v58 =	vor.u32 s24, v26;
	v15 =	vld.idx.msk [tilespmem:v22+s17+$0x0], $0xffff;
	[tilespmem:s3+$0x50] =	vst v18  }
0xfe: {  	v59 =	vadd.s32 s0, v11;
	[tilespmem:s3+$0xFFFFFF50] =	vst v13;
	v13 =	vld.idx.msk [tilespmem:v24+s17+$0x0], $0xffff  }
0xff: {  	v60 =	vand.u32 $0x7F, v59;
	[tilespmem:s10+$0xFFFFFFF0] =	vst v32;
	v16 =	vld.idx.msk [tilespmem:v56+s17+$0x0], $0xffff  }
0x100: {  	v62 =	vld.idx.msk [tilespmem:v30+s17+$0x0], $0xffff;
	[tilespmem:s10+$0x70] =	vst v14;
	v17 =	vor.u32 s9, v60  }
0x101: {  	v63 =	vld.idx.msk [tilespmem:v31+s17+$0x0], $0xffff;
	[tilespmem:s3+$0xD0] =	vst v57  }
0x102: {  	[tilespmem:s3+$0xFFFFFFE0] =	vst v15;
	v61 =	vld.idx.msk [tilespmem:v58+s17+$0x0], $0xffff  }
0x103: {  	v14 =	vor.u32 s24, v25;
	v15 =	vld.idx.msk [tilespmem:v19+s17+$0x0], $0xffff;
	[tilespmem:s3+$0x60] =	vst v13  }
0x104: {  	[tilespmem:s3+$0xFFFFFF60] =	vst v16;
	v13 =	vld.idx.msk [tilespmem:v27+s17+$0x0], $0xffff  }
0x105: {  	[tilespmem:s10+$0xFFFFFF70] =	vst v62;
	v16 =	vld.idx.msk [tilespmem:v17+s17+$0x0], $0xffff  }
0x106: {  	[tilespmem:s10+$0xF0] =	vst v63  }
0x107: {  	[tilespmem:s3+$0xE0] =	vst v61  }
0x108: {  	[tilespmem:s3+$0xFFFFFFF0] =	vst v15;
	v14 =	vld.idx.msk [tilespmem:v14+s17+$0x0], $0xffff  }
0x109: {  	p2 =	sne.s32 s28, $0x3F;
	[tilespmem:s3+$0x70] =	vst v13  }
.Ltmp2:
0x10a: {  	s19 =	sshll.u32 s28, $0xB;
	s22 =	rddreg [dreg:$0x1];
	[tilespmem:s3+$0xFFFFFF70] =	vst v16;
	(pc) =	sbr.rel @p2 .LBB2_8-.Ltmp2, $4  }
0x10b: {  	s2 =	sshll.u32 s1, $0x7;
	s0 =	sand.u32 $0x1F000, s19;
	s20 =	rddreg [dreg:$0x7]  }
0x10c: {  	s25 =	simm.s32 $0x400;
	s21 =	sadd.s32 s22, s2;
	s1 =	sor.u32 s20, s0  }
0x10d: {  	s23 =	simm.s32 $0x1000;
	s24 =	simm.s32 $0x16000;
	[tilespmem:s3+$0xF0] =	vst v14;
	s0 =	sadd.s32 s1, s21  }
0x10e: {  	[hbm4b:s0+s25] =	stream.strided.scatter [tilespmem:s24], [sflag:$0x3], $0x2000, s23, s25, $0x38;
	[tilespmem:$0x1A080] =	vst v63  }
.Ltmp3:
0x10f: {  	(pc) =	sbr.rel .LBB2_9-.Ltmp3, $4  }
0x110: {  	s0 =	simm.s32 $0x2  }
0x111: {  	_ =	swait.ge [sflag:s0], $0x4000  }
0x112: {  	[sflag:s0] =	ssyncset.done $0x0  }
0x113: {  	[sflag:s0] =	ssyncadd.s32 $0xFFFFC000  }
.LBB2_8:
0x114: {  	s0 =	sshll.u32 s28, $0x8;
	s2 =	rddreg [dreg:$0x3]  }
0x115: {  	s3 =	simm.s32 $0x80;
	s4 =	simm.s32 $0xC000;
	s0 =	sand.u32 $0x3FFFFF00, s0  }
.Ltmp4:
0x116: {  	s24 =	simm.s32 $0x2;
	s0 =	sadd.s32 $0x8100, s0;
	(pc) =	sbr.rel @p1 .LBB2_10-.Ltmp4, $4  }
0x117: {  	[tilespmem:s4], [sflag:$0x1] =	stream.indirect.gather [hbm4b:s2+s3], $0x80, s0, s3, $0xb8;
	[tilespmem:$0x1A080] =	vst v63  }
0x118: {  	_ =	swait.ge [sflag:s24], $0x4000  }
0x119: {  	[sflag:s24] =	ssyncset.done $0x0  }
0x11a: {  	[sflag:s24] =	ssyncadd.s32 $0xFFFFC000  }
.LBB2_9:
0x11b: {  	s0 =	simm.s32 $0x4  }
0x11c: {  	_ =	swait.ge [sflag:s0], $0x2000  }
0x11d: {  	[sflag:s0] =	ssyncset.done $0x0  }
0x11e: {  	[sflag:s0] =	ssyncadd.s32 $0xFFFFE000  }
.LBB2_10:
0x11f: {  	s3 =	simm.s32 $0x10100  }
0x120: {  	v13 =	vld [tilespmem:s3+$0x80]  }
0x121: {  	s5 =	simm.s32 $0x3;
	v16 =	vld [tilespmem:s30+$0x0]  }
0x122: {  	v20 =	vld [tilespmem:s30+$0xFFFFFF40];
	v15 =	vadd.s32 s5, v0  }
0x123: {  	v14 =	vld [tilespmem:s3+$0xFFFFFF00];
	v15 =	vand.u32 $0x7F, v15  }
0x124: {  	s12 =	simm.s32 $0x0;
	v17 =	vld [tilespmem:s3+$0xFFFFFF80];
	v15 =	vor.u32 v1, v15  }
0x125: {  	s7 =	simm.s32 $0x1;
	s6 =	simm.s32 $0x2;
	v18 =	vld [tilespmem:s3+$0x0];
	v19 =	vadd.s32 s12, v0;
	v13 =	vmul.f32 v13, v12  }
0x126: {  	v22 =	vld [tilespmem:s30+$0xFFFFFF80];
	v21 =	vadd.s32 s7, v0;
	v23 =	vadd.s32 s6, v0;
	v19 =	vand.u32 $0x7F, v19  }
0x127: {  	v24 =	vld [tilespmem:s30+$0xFFFFFFC0];
	v21 =	vand.u32 $0x7F, v21;
	v19 =	vor.u32 v1, v19;
	v13 =	vadd.f32 v16, v13  }
0x128: {  	v14 =	vmul.f32 v14, v12;
	v16 =	vor.u32 v1, v21;
	v21 =	vand.u32 $0x7F, v23  }
0x129: {  	v17 =	vmul.f32 v17, v12;
	v21 =	vor.u32 v1, v21;
	[tilespmem:v15+s17+$0x0] =	vst.idx.msk $0xffff, v13  }
0x12a: {  	s2 =	sadd.s32 $0x80, s29;
	v14 =	vadd.f32 v20, v14;
	v13 =	vmul.f32 v18, v12;
	v15 =	vld [tilespmem:s3+$0x90]  }
0x12b: {  	s0 =	sor.u32 $0x50, s2;
	v17 =	vadd.f32 v22, v17  }
0x12c: {  	[tilespmem:v19+s17+$0x0] =	vst.idx.msk $0xffff, v14;
	v14 =	vadd.s32 s5, v2;
	v18 =	vld [tilespmem:s0+$0x0];
	v13 =	vadd.f32 v24, v13  }
0x12d: {  	v19 =	vld [tilespmem:s3+$0xFFFFFF10];
	v14 =	vand.u32 $0x7F, v14;
	[tilespmem:v16+s17+$0x0] =	vst.idx.msk $0xffff, v17  }
0x12e: {  	v20 =	vld [tilespmem:s30+$0xFFFFFF50];
	[tilespmem:v21+s17+$0x0] =	vst.idx.msk $0xffff, v13;
	v13 =	vor.u32 v3, v14  }
0x12f: {  	v16 =	vld [tilespmem:s3+$0xFFFFFF90];
	v15 =	vmul.f32 v15, v12  }
0x130: {  	s21 =	sor.u32 $0x50, s29;
	v17 =	vadd.s32 s12, v2;
	v14 =	vld [tilespmem:s3+$0x10]  }
0x131: {  	v17 =	vand.u32 $0x7F, v17;
	v21 =	vadd.s32 s7, v2;
	v22 =	vld [tilespmem:s21+$0x0];
	v15 =	vadd.f32 v18, v15  }
0x132: {  	v17 =	vor.u32 v3, v17;
	v21 =	vand.u32 $0x7F, v21;
	v23 =	vld [tilespmem:s30+$0xFFFFFFD0];
	v18 =	vadd.s32 s6, v2  }
0x133: {  	v19 =	vmul.f32 v19, v12;
	v21 =	vor.u32 v3, v21;
	v18 =	vand.u32 $0x7F, v18;
	[tilespmem:v13+s17+$0x0] =	vst.idx.msk $0xffff, v15  }
0x134: {  	v13 =	vmul.f32 v16, v12;
	v15 =	vor.u32 v3, v18;
	v16 =	vld [tilespmem:s3+$0xA0]  }
0x135: {  	s23 =	sor.u32 $0x60, s2;
	v14 =	vmul.f32 v14, v12;
	v18 =	vadd.f32 v20, v19  }
0x136: {  	v19 =	vadd.s32 s5, v4;
	v20 =	vld [tilespmem:s23+$0x0];
	v13 =	vadd.f32 v22, v13  }
0x137: {  	[tilespmem:v17+s17+$0x0] =	vst.idx.msk $0xffff, v18;
	v14 =	vadd.f32 v23, v14;
	v17 =	vand.u32 $0x7F, v19  }
0x138: {  	v18 =	vld [tilespmem:s3+$0xFFFFFF20];
	[tilespmem:v21+s17+$0x0] =	vst.idx.msk $0xffff, v13;
	v13 =	vor.u32 v5, v17  }
0x139: {  	v17 =	vld [tilespmem:s3+$0xFFFFFFA0];
	[tilespmem:v15+s17+$0x0] =	vst.idx.msk $0xffff, v14;
	v14 =	vmul.f32 v16, v12  }
0x13a: {  	v24 =	vld [tilespmem:s30+$0xFFFFFF60]  }
0x13b: {  	s24 =	sor.u32 $0x60, s29;
	v15 =	vadd.s32 s12, v4;
	v19 =	vld [tilespmem:s3+$0x20];
	v14 =	vadd.f32 v20, v14  }
0x13c: {  	v23 =	vadd.s32 s6, v4;
	v21 =	vadd.s32 s7, v4;
	v16 =	vld [tilespmem:s24+$0x0];
	v20 =	vand.u32 $0x7F, v15  }
0x13d: {  	s28 =	sadd.s32 $0x1, s28;
	s31 =	sand.u32 $0x3, s31;
	v25 =	vmul.f32 v18, v12;
	v15 =	vld [tilespmem:s30+$0xFFFFFFE0];
	v22 =	vor.u32 v5, v20;
	[tilespmem:v13+s17+$0x0] =	vst.idx.msk $0xffff, v14;
	v14 =	vand.u32 $0x7F, v21  }
0x13e: {  	s9 =	simm.s32 $0x10300;
	s14 =	sor.u32 $0x70, s29;
	s11 =	simm.s32 $0x4;
	v20 =	vmul.f32 v17, v12;
	v13 =	vld [tilespmem:s3+$0xB0];
	v17 =	vor.u32 v5, v14;
	v14 =	vand.u32 $0x7F, v23  }
0x13f: {  	s13 =	simm.s32 $0x0;
	s16 =	smov.u32 s30;
	s4 =	sor.u32 $0x70, s2;
	v23 =	vld [tilespmem:s9+$0x80];
	v18 =	vor.u32 v5, v14  }
0x140: {  	s2 =	simm.s32 $0x8;
	s0 =	simm.s32 $0x4;
	s24 =	simm.s32 $0x2;
	v24 =	vadd.f32 v24, v25;
	v21 =	vmul.f32 v19, v12;
	v19 =	vadd.s32 s5, v6;
	v14 =	vld [tilespmem:s4+$0x0]  }
.LBB2_11:
0x141: {  	p1 =	slt.u32 s2, $0x7C;
	v25 =	vld [tilespmem:s9+$0xFFFFFF00];
	s8 =	sadd.s32 $0x3, s11;
	v16 =	vadd.f32 v16, v20;
	v19 =	vand.u32 $0x7F, v19;
	s30 =	sadd.s32 $0x100, s30  }
0x142: {  	v20 =	vadd.s32 s8, v0;
	v26 =	vld [tilespmem:s30+$0x0];
	[tilespmem:v22+s17+$0x0] =	vst.idx.msk $0xffff, v24;
	v15 =	vadd.f32 v15, v21;
	v19 =	vor.u32 v7, v19  }
0x143: {  	v21 =	vld [tilespmem:s9+$0xFFFFFF80];
	v20 =	vand.u32 $0x7F, v20;
	[tilespmem:v17+s17+$0x0] =	vst.idx.msk $0xffff, v16;
	v13 =	vmul.f32 v13, v12  }
0x144: {  	v16 =	vadd.s32 s11, v0;
	v17 =	vld [tilespmem:s9+$0x0];
	v20 =	vor.u32 v1, v20;
	[tilespmem:v18+s17+$0x0] =	vst.idx.msk $0xffff, v15  }
0x145: {  	s19 =	sadd.s32 $0x1, s11;
	s23 =	sadd.s32 $0x2, s11;
	v15 =	vand.u32 $0x7F, v16;
	v18 =	vmul.f32 v23, v12;
	v16 =	vld [tilespmem:s30+$0xFFFFFF40];
	v13 =	vadd.f32 v14, v13  }
0x146: {  	v22 =	vadd.s32 s19, v0;
	v24 =	vadd.s32 s23, v0;
	v14 =	vmul.f32 v25, v12;
	v23 =	vld [tilespmem:s30+$0xFFFFFF80]  }
0x147: {  	s10 =	simm.s32 $0x18100;
	v22 =	vand.u32 $0x7F, v22;
	v15 =	vor.u32 v1, v15;
	v25 =	vld [tilespmem:s30+$0xFFFFFFC0];
	v18 =	vadd.f32 v26, v18;
	[tilespmem:v19+s17+$0x0] =	vst.idx.msk $0xffff, v13  }
0x148: {  	v19 =	vor.u32 v1, v22;
	v13 =	vmul.f32 v21, v12;
	v21 =	vand.u32 $0x7F, v24;
	v22 =	vld [tilespmem:s3+$0xFFFFFF30]  }
0x149: {  	s29 =	sadd.s32 $0x100, s29;
	v17 =	vmul.f32 v17, v12;
	v21 =	vor.u32 v1, v21;
	[tilespmem:v20+s17+$0x0] =	vst.idx.msk $0xffff, v18;
	v18 =	vld [tilespmem:s3+$0xFFFFFFB0]  }
0x14a: {  	s4 =	sor.u32 $0x50, s29;
	s20 =	sor.u32 $0x60, s29;
	s18 =	sadd.s32 $0x80, s29;
	v14 =	vadd.f32 v16, v14;
	v16 =	vld [tilespmem:s9+$0x90]  }
0x14b: {  	s15 =	sor.u32 $0x70, s29;
	s21 =	sor.u32 $0x50, s18;
	v13 =	vadd.f32 v23, v13;
	v20 =	vld [tilespmem:s3+$0x30];
	s3 =	smov.u32 s9  }
0x14c: {  	[tilespmem:v15+s17+$0x0] =	vst.idx.msk $0xffff, v14;
	v14 =	vadd.f32 v25, v17;
	v15 =	vadd.s32 s8, v2;
	v17 =	vld [tilespmem:s21+$0x0]  }
0x14d: {  	v23 =	vld [tilespmem:s9+$0xFFFFFF10];
	[tilespmem:v19+s17+$0x0] =	vst.idx.msk $0xffff, v13;
	v13 =	vand.u32 $0x7F, v15;
	v15 =	vmul.f32 v22, v12  }
0x14e: {  	v19 =	vld [tilespmem:s9+$0xFFFFFF90];
	[tilespmem:v21+s17+$0x0] =	vst.idx.msk $0xffff, v14;
	v13 =	vor.u32 v3, v13;
	v14 =	vmul.f32 v18, v12  }
0x14f: {  	v22 =	vadd.s32 s13, v6;
	s13 =	smov.u32 s11;
	v18 =	vadd.s32 s11, v2;
	s11 =	smov.u32 s2;
	v21 =	vld [tilespmem:s9+$0x10];
	v16 =	vmul.f32 v16, v12  }
0x150: {  	v22 =	vand.u32 $0x7F, v22;
	v18 =	vand.u32 $0x7F, v18;
	v24 =	vld [tilespmem:s30+$0xFFFFFF50];
	v20 =	vmul.f32 v20, v12  }
0x151: {  	v27 =	vadd.s32 s23, v2;
	v25 =	vadd.s32 s19, v2;
	v26 =	vld [tilespmem:s4+$0x0];
	v16 =	vadd.f32 v17, v16  }
0x152: {  	v18 =	vor.u32 v3, v18;
	v17 =	vmul.f32 v23, v12;
	v23 =	vand.u32 $0x7F, v25;
	v25 =	vld [tilespmem:s30+$0xFFFFFFD0]  }
0x153: {  	v27 =	vand.u32 $0x7F, v27;
	v19 =	vmul.f32 v19, v12;
	v23 =	vor.u32 v3, v23;
	[tilespmem:v13+s17+$0x0] =	vst.idx.msk $0xffff, v16;
	v13 =	vld [tilespmem:s16+$0xFFFFFF70]  }
0x154: {  	v28 =	vadd.s32 s7, v6;
	s7 =	smov.u32 s19;
	v16 =	vmul.f32 v21, v12;
	v21 =	vor.u32 v3, v27;
	v27 =	vld [tilespmem:s9+$0xA0]  }
0x155: {  	v29 =	vadd.s32 s24, v6;
	s24 =	smov.u32 s23;
	v22 =	vor.u32 v7, v22;
	s4 =	sor.u32 $0x60, s18;
	v17 =	vadd.f32 v24, v17;
	v24 =	vld [tilespmem:s14+$0x0];
	s14 =	smov.u32 s15  }
0x156: {  	v28 =	vand.u32 $0x7F, v28;
	v19 =	vadd.f32 v26, v19;
	v26 =	vadd.s32 s8, v4;
	v30 =	vld [tilespmem:s4+$0x0]  }
0x157: {  	[tilespmem:v18+s17+$0x0] =	vst.idx.msk $0xffff, v17;
	v16 =	vadd.f32 v25, v16;
	v17 =	vand.u32 $0x7F, v26;
	v18 =	vor.u32 v7, v28;
	v25 =	vld [tilespmem:s16+$0xFFFFFFF0];
	s16 =	smov.u32 s30  }
0x158: {  	v26 =	vld [tilespmem:s9+$0xFFFFFF20];
	[tilespmem:v23+s17+$0x0] =	vst.idx.msk $0xffff, v19;
	v17 =	vor.u32 v5, v17;
	v13 =	vadd.f32 v13, v15;
	v15 =	vand.u32 $0x7F, v29  }
0x159: {  	v19 =	vld [tilespmem:s9+$0xFFFFFFA0];
	[tilespmem:v21+s17+$0x0] =	vst.idx.msk $0xffff, v16;
	v16 =	vmul.f32 v27, v12;
	v21 =	vor.u32 v7, v15  }
0x15a: {  	v15 =	vadd.s32 s13, v4;
	v27 =	vld [tilespmem:s9+$0x20];
	[tilespmem:v22+s17+$0x0] =	vst.idx.msk $0xffff, v13;
	v13 =	vadd.f32 v24, v14  }
0x15b: {  	v14 =	vand.u32 $0x7F, v15;
	v24 =	vld [tilespmem:s30+$0xFFFFFF60];
	v23 =	vadd.f32 v30, v16  }
.Ltmp5:
0x15c: {  	v28 =	vadd.s32 s24, v4;
	v15 =	vadd.s32 s7, v4;
	v16 =	vld [tilespmem:s20+$0x0];
	[tilespmem:v18+s17+$0x0] =	vst.idx.msk $0xffff, v13;
	v18 =	vadd.f32 v25, v20;
	(pc) =	sbr.rel @p1 .LBB2_11-.Ltmp5, $4  }
0x15d: {  	v22 =	vor.u32 v5, v14;
	v13 =	vand.u32 $0x7F, v15;
	v25 =	vmul.f32 v26, v12;
	v15 =	vld [tilespmem:s30+$0xFFFFFFE0];
	[tilespmem:v17+s17+$0x0] =	vst.idx.msk $0xffff, v23  }
0x15e: {  	s9 =	sadd.s32 $0x200, s9;
	v14 =	vand.u32 $0x7F, v28;
	v17 =	vor.u32 v5, v13;
	v20 =	vmul.f32 v19, v12;
	v13 =	vld [tilespmem:s3+$0xB0];
	[tilespmem:v21+s17+$0x0] =	vst.idx.msk $0xffff, v18  }
0x15f: {  	s4 =	sor.u32 $0x70, s18;
	v18 =	vor.u32 v5, v14;
	v23 =	vld [tilespmem:s9+$0x80];
	v21 =	vmul.f32 v27, v12  }
0x160: {  	s2 =	sadd.s32 $0x4, s2;
	v19 =	vadd.s32 s8, v6;
	v24 =	vadd.f32 v24, v25;
	v14 =	vld [tilespmem:s4+$0x0]  }
0x161: {  	v25 =	vld [tilespmem:s9+$0xFFFFFF00]  }
0x162: {  	s2 =	sadd.s32 $0x100, s30;
	s18 =	sadd.s32 $0x3, s11;
	v28 =	vld [tilespmem:s9+$0xFFFFFF80]  }
0x163: {  	v26 =	vld [tilespmem:s2+$0x0];
	v27 =	vadd.s32 s18, v0  }
0x164: {  	v30 =	vld [tilespmem:s9+$0x0];
	v27 =	vand.u32 $0x7F, v27  }
0x165: {  	v29 =	vadd.s32 s11, v0;
	s20 =	sadd.s32 $0x1, s11;
	v31 =	vld [tilespmem:s2+$0xFFFFFF40];
	v27 =	vor.u32 v1, v27  }
0x166: {  	v29 =	vand.u32 $0x7F, v29;
	v32 =	vadd.s32 s20, v0;
	v33 =	vld [tilespmem:s2+$0xFFFFFF80];
	v23 =	vmul.f32 v23, v12  }
0x167: {  	v29 =	vor.u32 v1, v29;
	v32 =	vand.u32 $0x7F, v32  }
0x168: {  	s8 =	sadd.s32 $0x2, s11;
	v35 =	vld [tilespmem:s2+$0xFFFFFFC0];
	v25 =	vmul.f32 v25, v12;
	v23 =	vadd.f32 v26, v23;
	v26 =	vor.u32 v1, v32  }
0x169: {  	s23 =	sadd.s32 $0x100, s29;
	v34 =	vadd.s32 s8, v0;
	[tilespmem:v22+s17+$0x0] =	vst.idx.msk $0xffff, v24;
	v22 =	vmul.f32 v28, v12  }
0x16a: {  	s19 =	sadd.s32 $0x80, s23;
	v51 =	vand.u32 $0x7F, v34;
	[tilespmem:v27+s17+$0x0] =	vst.idx.msk $0xffff, v23;
	v23 =	vadd.f32 v31, v25  }
0x16b: {  	s4 =	sor.u32 $0x50, s19;
	v24 =	vor.u32 v1, v51;
	v30 =	vmul.f32 v30, v12;
	v22 =	vadd.f32 v33, v22;
	v25 =	vld [tilespmem:s9+$0x90]  }
0x16c: {  	v27 =	vld [tilespmem:s4+$0x0];
	[tilespmem:v29+s17+$0x0] =	vst.idx.msk $0xffff, v23  }
0x16d: {  	v23 =	vadd.f32 v35, v30;
	v29 =	vadd.s32 s18, v2;
	v30 =	vld [tilespmem:s9+$0xFFFFFF10];
	[tilespmem:v26+s17+$0x0] =	vst.idx.msk $0xffff, v22  }
0x16e: {  	s21 =	sor.u32 $0x50, s23;
	v22 =	vand.u32 $0x7F, v29;
	v26 =	vld [tilespmem:s9+$0xFFFFFF90]  }
0x16f: {  	v16 =	vadd.f32 v16, v20;
	v15 =	vadd.f32 v15, v21;
	v20 =	vor.u32 v3, v22;
	v21 =	vld [tilespmem:s21+$0x0]  }
0x170: {  	[tilespmem:v24+s17+$0x0] =	vst.idx.msk $0xffff, v23;
	v23 =	vadd.s32 s11, v2;
	v24 =	vmul.f32 v25, v12;
	v25 =	vld [tilespmem:s2+$0xFFFFFF50]  }
0x171: {  	[tilespmem:v17+s17+$0x0] =	vst.idx.msk $0xffff, v16;
	v17 =	vadd.s32 s20, v2;
	v22 =	vld [tilespmem:s9+$0x10];
	v16 =	vand.u32 $0x7F, v23  }
0x172: {  	v17 =	vand.u32 $0x7F, v17;
	v28 =	vld [tilespmem:s3+$0xFFFFFF30];
	v16 =	vor.u32 v3, v16;
	v24 =	vadd.f32 v27, v24  }
0x173: {  	[tilespmem:v18+s17+$0x0] =	vst.idx.msk $0xffff, v15;
	v15 =	vadd.s32 s8, v2;
	v17 =	vor.u32 v3, v17;
	v18 =	vmul.f32 v30, v12;
	v27 =	vld [tilespmem:s2+$0xFFFFFFD0]  }
0x174: {  	v15 =	vand.u32 $0x7F, v15;
	v29 =	vld [tilespmem:s3+$0x30];
	v26 =	vmul.f32 v26, v12;
	[tilespmem:v20+s17+$0x0] =	vst.idx.msk $0xffff, v24  }
0x175: {  	v15 =	vor.u32 v3, v15;
	v20 =	vld [tilespmem:s9+$0xA0];
	v18 =	vadd.f32 v25, v18  }
0x176: {  	s29 =	sor.u32 $0x60, s19;
	v23 =	vld [tilespmem:s3+$0xFFFFFFB0];
	v22 =	vmul.f32 v22, v12;
	v21 =	vadd.f32 v21, v26  }
0x177: {  	v19 =	vand.u32 $0x7F, v19;
	v25 =	vadd.s32 s18, v4;
	v26 =	vld [tilespmem:s29+$0x0];
	[tilespmem:v16+s17+$0x0] =	vst.idx.msk $0xffff, v18  }
0x178: {  	v13 =	vmul.f32 v13, v12;
	v16 =	vadd.f32 v27, v22;
	v18 =	vand.u32 $0x7F, v25;
	[tilespmem:v17+s17+$0x0] =	vst.idx.msk $0xffff, v21;
	v22 =	vld [tilespmem:s9+$0xFFFFFF20]  }
0x179: {  	v17 =	vor.u32 v7, v19;
	v18 =	vor.u32 v5, v18;
	v19 =	vld [tilespmem:s9+$0xFFFFFFA0]  }
0x17a: {  	v13 =	vadd.f32 v14, v13;
	[tilespmem:v15+s17+$0x0] =	vst.idx.msk $0xffff, v16;
	v15 =	vadd.s32 s11, v4;
	v16 =	vld [tilespmem:s2+$0xFFFFFF60];
	v14 =	vmul.f32 v20, v12  }
0x17b: {  	s30 =	sor.u32 $0x60, s23;
	v21 =	vmul.f32 v23, v12;
	v25 =	vadd.s32 s20, v4;
	v23 =	vld [tilespmem:s9+$0x20];
	v15 =	vand.u32 $0x7F, v15  }
0x17c: {  	v27 =	vadd.s32 s8, v4;
	v15 =	vor.u32 v5, v15;
	v14 =	vadd.f32 v26, v14;
	v26 =	vld [tilespmem:s30+$0x0]  }
0x17d: {  	v25 =	vand.u32 $0x7F, v25;
	v20 =	vmul.f32 v28, v12;
	v28 =	vld [tilespmem:s2+$0xFFFFFFE0];
	v22 =	vmul.f32 v22, v12  }
0x17e: {  	v30 =	vadd.s32 s13, v6;
	v24 =	vld [tilespmem:s16+$0xFFFFFF70];
	[tilespmem:v18+s17+$0x0] =	vst.idx.msk $0xffff, v14;
	v14 =	vor.u32 v5, v25;
	v18 =	vand.u32 $0x7F, v27  }
0x17f: {  	v19 =	vmul.f32 v19, v12;
	v25 =	vld [tilespmem:s9+$0xB0];
	v18 =	vor.u32 v5, v18;
	v16 =	vadd.f32 v16, v22  }
0x180: {  	v27 =	vmul.f32 v29, v12;
	v29 =	vld [tilespmem:s16+$0xFFFFFFF0];
	v22 =	vand.u32 $0x7F, v30;
	v23 =	vmul.f32 v23, v12  }
0x181: {  	v31 =	vld [tilespmem:s14+$0x0];
	v30 =	vadd.s32 s7, v6;
	v22 =	vor.u32 v7, v22;
	v19 =	vadd.f32 v26, v19;
	[tilespmem:v15+s17+$0x0] =	vst.idx.msk $0xffff, v16  }
0x182: {  	s4 =	sor.u32 $0x70, s19;
	v15 =	vadd.s32 s24, v6;
	v16 =	vand.u32 $0x7F, v30;
	v23 =	vadd.f32 v28, v23;
	v26 =	vld [tilespmem:s9+$0xFFFFFF30]  }
0x183: {  	v20 =	vadd.f32 v24, v20;
	v52 =	vld [tilespmem:s4+$0x0];
	v16 =	vor.u32 v7, v16;
	v15 =	vand.u32 $0x7F, v15;
	[tilespmem:v14+s17+$0x0] =	vst.idx.msk $0xffff, v19  }
0x184: {  	v14 =	vor.u32 v7, v15;
	v15 =	vadd.s32 s18, v6;
	v19 =	vmul.f32 v25, v12;
	[tilespmem:v18+s17+$0x0] =	vst.idx.msk $0xffff, v23;
	v18 =	vld [tilespmem:s9+$0xFFFFFFB0]  }
0x185: {  	v23 =	vadd.f32 v29, v27;
	v15 =	vand.u32 $0x7F, v15;
	v25 =	vadd.s32 s11, v6;
	v27 =	vld [tilespmem:s2+$0xFFFFFF70]  }
0x186: {  	v21 =	vadd.f32 v31, v21;
	[tilespmem:v17+s17+$0x0] =	vst.idx.msk $0xffff, v13;
	v24 =	vld [tilespmem:s9+$0x30];
	s9 =	sor.u32 $0x70, s23;
	v15 =	vor.u32 v7, v15;
	v17 =	vand.u32 $0x7F, v25  }
0x187: {  	v25 =	vadd.s32 s20, v6;
	[tilespmem:v22+s17+$0x0] =	vst.idx.msk $0xffff, v20;
	v20 =	vadd.s32 s8, v6;
	v13 =	vmul.f32 v26, v12;
	v26 =	vld [tilespmem:s9+$0x0]  }
0x188: {  	v19 =	vadd.f32 v52, v19;
	v17 =	vor.u32 v7, v17;
	v22 =	vand.u32 $0x7F, v25;
	v25 =	vld [tilespmem:s2+$0xFFFFFFF0]  }
0x189: {  	s11 =	simm.s32 $0x0;
	v20 =	vand.u32 $0x7F, v20;
	[tilespmem:v16+s17+$0x0] =	vst.idx.msk $0xffff, v21;
	v16 =	vor.u32 v7, v22;
	v21 =	vmov s12  }
0x18a: {  	[tilespmem:v14+s17+$0x0] =	vst.idx.msk $0xffff, v23;
	v14 =	vmul.f32 v18, v12;
	v18 =	vor.u32 v7, v20;
	v20 =	vadd.s32 s11, v21  }
0x18b: {  	v13 =	vadd.f32 v27, v13;
	v21 =	vmul.f32 v24, v12;
	v22 =	vadd.s32 v0, v20  }
0x18c: {  	[tilespmem:v15+s17+$0x0] =	vst.idx.msk $0xffff, v19;
	v14 =	vadd.f32 v26, v14  }
0x18d: {  	s15 =	simm.s32 $0x1;
	[tilespmem:v17+s17+$0x0] =	vst.idx.msk $0xffff, v13;
	v13 =	vadd.f32 v25, v21  }
0x18e: {  	s16 =	simm.s32 $0x80;
	[tilespmem:v16+s17+$0x0] =	vst.idx.msk $0xffff, v14;
	v14 =	vmov s15  }
0x18f: {  	[tilespmem:v18+s17+$0x0] =	vst.idx.msk $0xffff, v13;
	v13 =	vadd.s32 s16, v14  }
0x190: {  	s18 =	simm.s32 $0x100;
	v14 =	vmov s6;
	v16 =	vld.idx.msk [tilespmem:v22+s17+$0x0], $0xffff;
	v15 =	vadd.s32 v0, v13  }
0x191: {  	s19 =	simm.s32 $0x180;
	v17 =	vmov s5;
	v18 =	vadd.s32 v2, v20;
	v14 =	vadd.s32 s18, v14  }
0x192: {  	v17 =	vadd.s32 s19, v17;
	v19 =	vadd.s32 v0, v14  }
0x193: {  	v21 =	vadd.s32 v0, v17;
	_ =	sdelay $0x1  }
0x194: {  	[tilespmem:s10+$0xFFFFFF00] =	vst v16;
	v15 =	vld.idx.msk [tilespmem:v15+s17+$0x0], $0xffff  }
0x195: {  	v16 =	vadd.s32 v2, v13;
	v18 =	vld.idx.msk [tilespmem:v18+s17+$0x0], $0xffff  }
0x196: {  	v22 =	vadd.s32 v4, v20;
	v19 =	vld.idx.msk [tilespmem:v19+s17+$0x0], $0xffff  }
0x197: {  	v23 =	vadd.s32 v2, v14;
	v21 =	vld.idx.msk [tilespmem:v21+s17+$0x0], $0xffff  }
0x198: {  	v24 =	vadd.s32 v2, v17  }
0x199: {  	[tilespmem:s10+$0xFFFFFF80] =	vst v15  }
0x19a: {  	[tilespmem:s10+$0xFFFFFF10] =	vst v18;
	v15 =	vld.idx.msk [tilespmem:v16+s17+$0x0], $0xffff  }
0x19b: {  	[tilespmem:s10+$0x0] =	vst v19;
	v16 =	vadd.s32 v4, v13;
	v18 =	vld.idx.msk [tilespmem:v22+s17+$0x0], $0xffff  }
0x19c: {  	s24 =	simm.s32 $0x5;
	v20 =	vadd.s32 v6, v20;
	[tilespmem:s10+$0x80] =	vst v21;
	v19 =	vld.idx.msk [tilespmem:v23+s17+$0x0], $0xffff  }
0x19d: {  	s29 =	simm.s32 $0x280;
	v28 =	vadd.s32 s5, v9;
	v29 =	vmov s24;
	v22 =	vadd.s32 v4, v14;
	v23 =	vld.idx.msk [tilespmem:v24+s17+$0x0], $0xffff  }
0x19e: {  	v31 =	vadd.s32 s29, v29;
	v25 =	vadd.s32 v4, v17;
	v24 =	vadd.s32 s6, v8  }
0x19f: {  	v26 =	vadd.s32 s5, v8;
	v17 =	vadd.s32 v6, v17;
	v24 =	vand.u32 $0x7F, v24;
	[tilespmem:s10+$0xFFFFFF90] =	vst v15  }
0x1a0: {  	v15 =	vor.u32 s18, v24;
	v24 =	vand.u32 $0x7F, v26;
	[tilespmem:s10+$0xFFFFFF20] =	vst v18;
	v18 =	vadd.s32 s12, v8;
	v16 =	vld.idx.msk [tilespmem:v16+s17+$0x0], $0xffff  }
0x1a1: {  	v26 =	vadd.s32 s15, v9;
	[tilespmem:s10+$0x10] =	vst v19;
	v19 =	vadd.s32 v6, v13;
	v20 =	vld.idx.msk [tilespmem:v20+s17+$0x0], $0xffff;
	v13 =	vand.u32 $0x7F, v18  }
0x1a2: {  	v14 =	vadd.s32 v6, v14;
	v26 =	vand.u32 $0x7F, v26;
	[tilespmem:s10+$0x90] =	vst v23;
	v22 =	vld.idx.msk [tilespmem:v22+s17+$0x0], $0xffff;
	v27 =	vor.u32 s11, v13  }
0x1a3: {  	s21 =	simm.s32 $0x6;
	s7 =	simm.s32 $0x200;
	v18 =	vadd.s32 s6, v9;
	v23 =	vor.u32 s16, v26;
	v13 =	vmov s0;
	v25 =	vld.idx.msk [tilespmem:v25+s17+$0x0], $0xffff  }
0x1a4: {  	v18 =	vand.u32 $0x7F, v18;
	v26 =	vadd.s32 s7, v13;
	v13 =	vmov s21  }
0x1a5: {  	s23 =	simm.s32 $0x300;
	v30 =	vor.u32 s18, v18;
	v18 =	vand.u32 $0x7F, v28;
	v28 =	vadd.s32 v0, v31;
	[tilespmem:s10+$0xFFFFFFA0] =	vst v16  }
0x1a6: {  	v21 =	vadd.s32 s15, v8;
	v13 =	vadd.s32 s23, v13;
	v16 =	vadd.s32 v0, v26;
	[tilespmem:s10+$0xFFFFFF30] =	vst v20;
	v19 =	vld.idx.msk [tilespmem:v19+s17+$0x0], $0xffff  }
0x1a7: {  	v29 =	vadd.s32 s12, v9;
	v21 =	vand.u32 $0x7F, v21;
	v20 =	vadd.s32 v0, v13;
	[tilespmem:s10+$0x20] =	vst v22;
	v22 =	vld.idx.msk [tilespmem:v27+s17+$0x0], $0xffff  }
0x1a8: {  	v29 =	vand.u32 $0x7F, v29;
	v21 =	vor.u32 s16, v21;
	[tilespmem:s10+$0xA0] =	vst v25;
	v14 =	vld.idx.msk [tilespmem:v14+s17+$0x0], $0xffff  }
0x1a9: {  	v53 =	vadd.s32 s6, v10;
	v29 =	vor.u32 s11, v29;
	v25 =	vadd.s32 s15, v11;
	v17 =	vld.idx.msk [tilespmem:v17+s17+$0x0], $0xffff  }
0x1aa: {  	v54 =	vadd.s32 s5, v10;
	v63 =	vadd.s32 s12, v11;
	v25 =	vand.u32 $0x7F, v25;
	v28 =	vld.idx.msk [tilespmem:v28+s17+$0x0], $0xffff  }
0x1ab: {  	s30 =	simm.s32 $0x7;
	v27 =	vadd.s32 s15, v10;
	v39 =	vor.u32 s16, v25;
	v25 =	vadd.s32 v2, v31;
	v55 =	vld.idx.msk [tilespmem:v16+s17+$0x0], $0xffff;
	[tilespmem:s10+$0xFFFFFFB0] =	vst v19  }
0x1ac: {  	s3 =	simm.s32 $0x380;
	v27 =	vand.u32 $0x7F, v27;
	v16 =	vmov s30;
	v20 =	vld.idx.msk [tilespmem:v20+s17+$0x0], $0xffff;
	v19 =	vor.u32 s19, v24;
	[tilespmem:s10+$0xFFFFFF40] =	vst v22  }
0x1ad: {  	v24 =	vor.u32 s16, v27;
	v16 =	vadd.s32 s3, v16;
	v27 =	vadd.s32 v2, v26;
	v21 =	vld.idx.msk [tilespmem:v21+s17+$0x0], $0xffff;
	[tilespmem:s10+$0x30] =	vst v14  }
0x1ae: {  	v33 =	vand.u32 $0x7F, v54;
	v56 =	vadd.s32 v0, v16;
	v14 =	vadd.s32 s6, v11;
	s6 =	simm.s32 $0x18300;
	v29 =	vld.idx.msk [tilespmem:v29+s17+$0x0], $0xffff;
	[tilespmem:s10+$0xB0] =	vst v17  }
0x1af: {  	v32 =	vand.u32 $0x7F, v53;
	v33 =	vor.u32 s19, v33;
	v17 =	vadd.s32 s5, v11;
	v22 =	vld.idx.msk [tilespmem:v15+s17+$0x0], $0xffff;
	[tilespmem:s6+$0xFFFFFF80] =	vst v28  }
0x1b0: {  	v57 =	vadd.s32 s21, v8;
	v40 =	vand.u32 $0x7F, v17;
	v17 =	vadd.s32 s12, v10;
	v25 =	vld.idx.msk [tilespmem:v25+s17+$0x0], $0xffff;
	[tilespmem:s6+$0xFFFFFF00] =	vst v55  }
0x1b1: {  	v62 =	vadd.s32 s30, v10;
	v17 =	vand.u32 $0x7F, v17;
	[tilespmem:s6+$0x0] =	vst v20;
	v20 =	vadd.s32 v2, v13;
	v19 =	vld.idx.msk [tilespmem:v19+s17+$0x0], $0xffff  }
0x1b2: {  	v60 =	vadd.s32 s24, v11;
	v32 =	vor.u32 s18, v32;
	v58 =	vor.u32 s11, v17;
	v27 =	vld.idx.msk [tilespmem:v27+s17+$0x0], $0xffff  }
0x1b3: {  	v36 =	vor.u32 s19, v18;
	v37 =	vadd.s32 v4, v26;
	v18 =	vand.u32 $0x7F, v57;
	v35 =	vld.idx.msk [tilespmem:v56+s17+$0x0], $0xffff;
	[tilespmem:s10+$0xFFFFFFC0] =	vst v21  }
0x1b4: {  	v43 =	vadd.s32 v6, v26;
	v18 =	vor.u32 s23, v18;
	v61 =	vadd.s32 v4, v13;
	v28 =	vld.idx.msk [tilespmem:v23+s17+$0x0], $0xffff;
	[tilespmem:s10+$0x40] =	vst v22  }
0x1b5: {  	v26 =	vand.u32 $0x7F, v62;
	v14 =	vand.u32 $0x7F, v14;
	v15 =	vadd.s32 s24, v8;
	[tilespmem:s10+$0xFFFFFF50] =	vst v29;
	v29 =	vld.idx.msk [tilespmem:v30+s17+$0x0], $0xffff  }
0x1b6: {  	v14 =	vor.u32 s18, v14;
	v15 =	vand.u32 $0x7F, v15;
	v30 =	vadd.s32 v4, v31;
	[tilespmem:s6+$0xFFFFFF90] =	vst v25;
	v38 =	vld.idx.msk [tilespmem:v20+s17+$0x0], $0xffff  }
0x1b7: {  	v41 =	vadd.s32 v2, v16;
	v15 =	vor.u32 s29, v15;
	v23 =	vadd.s32 s24, v9;
	v42 =	vld.idx.msk [tilespmem:v58+s17+$0x0], $0xffff;
	[tilespmem:s10+$0xC0] =	vst v19  }
0x1b8: {  	v21 =	vadd.s32 s30, v8;
	v22 =	vadd.s32 s21, v9;
	v17 =	vand.u32 $0x7F, v23;
	[tilespmem:s6+$0xFFFFFF10] =	vst v27;
	v27 =	vld.idx.msk [tilespmem:v36+s17+$0x0], $0xffff  }
0x1b9: {  	v25 =	vadd.s32 s21, v11;
	v17 =	vor.u32 s29, v17;
	v19 =	vand.u32 $0x7F, v22;
	v59 =	vld.idx.msk [tilespmem:v37+s17+$0x0], $0xffff;
	[tilespmem:s10+$0xFFFFFFD0] =	vst v28  }
0x1ba: {  	v25 =	vand.u32 $0x7F, v25;
	v22 =	vadd.s32 s30, v9;
	v20 =	vor.u32 s23, v19;
	[tilespmem:s6+$0x80] =	vst v35;
	v44 =	vld.idx.msk [tilespmem:v24+s17+$0x0], $0xffff  }
0x1bb: {  	v23 =	vand.u32 $0x7F, v22;
	v19 =	vadd.s32 s24, v10;
	v22 =	vadd.s32 s21, v10;
	v45 =	vld.idx.msk [tilespmem:v30+s17+$0x0], $0xffff;
	[tilespmem:s10+$0x50] =	vst v29  }
0x1bc: {  	v37 =	vadd.s32 v4, v16;
	v19 =	vand.u32 $0x7F, v19;
	v24 =	vand.u32 $0x7F, v22;
	v29 =	vld.idx.msk [tilespmem:v41+s17+$0x0], $0xffff;
	[tilespmem:s6+$0x10] =	vst v38  }
0x1bd: {  	v22 =	vor.u32 s29, v19;
	v19 =	vand.u32 $0x7F, v60;
	v30 =	vadd.s32 s30, v11;
	v28 =	vld.idx.msk [tilespmem:v32+s17+$0x0], $0xffff;
	[tilespmem:s10+$0xFFFFFF60] =	vst v42  }
0x1be: {  	v24 =	vor.u32 s23, v24;
	v32 =	vand.u32 $0x7F, v63;
	v38 =	vadd.s32 v6, v31;
	v35 =	vld.idx.msk [tilespmem:v61+s17+$0x0], $0xffff;
	[tilespmem:s6+$0xFFFFFF20] =	vst v59  }
0x1bf: {  	[tilespmem:s10+$0xD0] =	vst v27;
	v27 =	vor.u32 s23, v25;
	v25 =	vand.u32 $0x7F, v30;
	v30 =	vadd.s32 s0, v8;
	v34 =	vld.idx.msk [tilespmem:v43+s17+$0x0], $0xffff  }
0x1c0: {  	v19 =	vor.u32 s29, v19;
	v31 =	vand.u32 $0x7F, v30;
	v30 =	vor.u32 s11, v32;
	v33 =	vld.idx.msk [tilespmem:v33+s17+$0x0], $0xffff;
	[tilespmem:s10+$0xFFFFFFE0] =	vst v44  }
0x1c1: {  	s13 =	simm.s32 $0x8;
	s5 =	simm.s32 $0x580;
	v21 =	vand.u32 $0x7F, v21;
	v36 =	vor.u32 s7, v31;
	[tilespmem:s6+$0xFFFFFFA0] =	vst v45;
	v31 =	vor.u32 s19, v40;
	v32 =	vld.idx.msk [tilespmem:v39+s17+$0x0], $0xffff  }
.LBB2_13:
0x1c2: {  	s9 =	sadd.s32 $0xFFFFFE80, s5  }
0x1c3: {  	v39 =	vmov s13;
	s16 =	sadd.s32 $0x1, s13;
	v38 =	vld.idx.msk [tilespmem:v38+s17+$0x0], $0xffff;
	[tilespmem:s6+$0x90] =	vst v29;
	v40 =	vadd.s32 v6, v16;
	s8 =	smov.u32 s13;
	s2 =	sadd.s32 $0x4, s13  }
0x1c4: {  	s12 =	sadd.s32 $0xFFFFFF00, s5;
	p1 =	slt.u32 s13, $0x3C;
	v29 =	vadd.s32 s9, v39;
	v16 =	vmov s16;
	s14 =	sadd.s32 $0x2, s8;
	v39 =	vadd.s32 v6, v13;
	v37 =	vld.idx.msk [tilespmem:v37+s17+$0x0], $0xffff;
	[tilespmem:s10+$0x60] =	vst v28  }
0x1c5: {  	s11 =	sadd.s32 $0xFFFFFF80, s5;
	s13 =	sadd.s32 $0x3, s8;
	v41 =	vadd.s32 v0, v29;
	v28 =	vadd.s32 s12, v16;
	v13 =	vmov s14;
	[tilespmem:s6+$0x20] =	vst v35;
	v35 =	vld.idx.msk [tilespmem:v14+s17+$0x0], $0xffff;
	v14 =	vmovc v27  }
0x1c6: {  	v16 =	vmov s13;
	v27 =	vadd.s32 v0, v28;
	v13 =	vadd.s32 s11, v13;
	[tilespmem:s6+$0xFFFFFF30] =	vst v34;
	v30 =	vld.idx.msk [tilespmem:v30+s17+$0x0], $0xffff  }
0x1c7: {  	v34 =	vadd.s32 s16, v8;
	v16 =	vadd.s32 s5, v16;
	v42 =	vadd.s32 v0, v13;
	v36 =	vld.idx.msk [tilespmem:v36+s17+$0x0], $0xffff;
	[tilespmem:s10+$0xE0] =	vst v33  }
0x1c8: {  	v33 =	vand.u32 $0x7F, v34;
	v34 =	vadd.s32 s14, v8;
	v43 =	vadd.s32 v0, v16;
	[tilespmem:s10+$0xFFFFFFF0] =	vst v32;
	v31 =	vld.idx.msk [tilespmem:v31+s17+$0x0], $0xffff  }
0x1c9: {  	v32 =	vor.u32 s12, v33;
	v33 =	vand.u32 $0x7F, v34;
	v34 =	vadd.s32 s13, v8;
	[tilespmem:s6+$0xFFFFFFB0] =	vst v38;
	v38 =	vld.idx.msk [tilespmem:v39+s17+$0x0], $0xffff  }
0x1ca: {  	v33 =	vor.u32 s11, v33;
	v34 =	vand.u32 $0x7F, v34;
	v39 =	vadd.s32 s0, v9;
	[tilespmem:s6+$0xA0] =	vst v37  }
0x1cb: {  	v44 =	vadd.s32 s14, v9;
	v37 =	vadd.s32 s16, v9;
	v39 =	vand.u32 $0x7F, v39;
	v40 =	vld.idx.msk [tilespmem:v40+s17+$0x0], $0xffff;
	[tilespmem:s10+$0x70] =	vst v35  }
0x1cc: {  	v37 =	vand.u32 $0x7F, v37;
	v39 =	vor.u32 s7, v39;
	v35 =	vld.idx.msk [tilespmem:v41+s17+$0x0], $0xffff;
	v41 =	vor.u32 s3, v21;
	[tilespmem:s10+$0xFFFFFF70] =	vst v30;
	v21 =	vmovc v34  }
0x1cd: {  	v30 =	vor.u32 s12, v37;
	v37 =	vand.u32 $0x7F, v44;
	v34 =	vld.idx.msk [tilespmem:v42+s17+$0x0], $0xffff;
	v42 =	vadd.s32 s13, v9;
	[tilespmem:s6+$0xFFFFFF40] =	vst v36  }
0x1ce: {  	v36 =	vadd.s32 v2, v29;
	v37 =	vor.u32 s11, v37;
	v42 =	vand.u32 $0x7F, v42;
	v44 =	vld.idx.msk [tilespmem:v15+s17+$0x0], $0xffff;
	[tilespmem:s10+$0xF0] =	vst v31;
	v15 =	vmovc v32;
	s10 =	smov.u32 s6  }
0x1cf: {  	v45 =	vadd.s32 s14, v10;
	v31 =	vadd.s32 s16, v10;
	v32 =	vadd.s32 s16, v11;
	s6 =	sadd.s32 $0x200, s6;
	v27 =	vld.idx.msk [tilespmem:v27+s17+$0x0], $0xffff;
	[tilespmem:s10+$0x30] =	vst v38  }
0x1d0: {  	v31 =	vand.u32 $0x7F, v31;
	v38 =	vand.u32 $0x7F, v45;
	v45 =	vadd.s32 s13, v10;
	v46 =	vld.idx.msk [tilespmem:v18+s17+$0x0], $0xffff;
	v18 =	vmovc v33  }
0x1d1: {  	v33 =	vadd.s32 v2, v28;
	v31 =	vor.u32 s12, v31;
	v47 =	vor.u32 s11, v38;
	v38 =	vld.idx.msk [tilespmem:v39+s17+$0x0], $0xffff;
	[tilespmem:s10+$0xB0] =	vst v40  }
0x1d2: {  	v32 =	vand.u32 $0x7F, v32;
	v39 =	vand.u32 $0x7F, v45;
	[tilespmem:s6+$0xFFFFFF00] =	vst v35;
	v35 =	vadd.s32 s14, v11;
	v40 =	vld.idx.msk [tilespmem:v41+s17+$0x0], $0xffff  }
0x1d3: {  	v41 =	vor.u32 s12, v32;
	v32 =	vadd.s32 v2, v13;
	v36 =	vld.idx.msk [tilespmem:v36+s17+$0x0], $0xffff;
	[tilespmem:s6+$0x0] =	vst v34;
	v34 =	vor.u32 s3, v23;
	v23 =	vmovc v42  }
0x1d4: {  	v45 =	vadd.s32 s0, v10;
	v35 =	vand.u32 $0x7F, v35;
	v42 =	vld.idx.msk [tilespmem:v43+s17+$0x0], $0xffff;
	v43 =	vadd.s32 s13, v11;
	[tilespmem:s10+$0xFFFFFFC0] =	vst v44  }
0x1d5: {  	v44 =	vadd.s32 v4, v29;
	[tilespmem:s6+$0xFFFFFF80] =	vst v27;
	v27 =	vor.u32 s11, v35;
	v35 =	vand.u32 $0x7F, v45;
	v45 =	vld.idx.msk [tilespmem:v17+s17+$0x0], $0xffff;
	v17 =	vmovc v30  }
0x1d6: {  	v43 =	vand.u32 $0x7F, v43;
	v30 =	vld.idx.msk [tilespmem:v33+s17+$0x0], $0xffff;
	v33 =	vor.u32 s7, v35;
	[tilespmem:s10+$0x40] =	vst v46  }
0x1d7: {  	[tilespmem:s10+$0xFFFFFF50] =	vst v38;
	v35 =	vld.idx.msk [tilespmem:v20+s17+$0x0], $0xffff;
	v20 =	vmov v37  }
0x1d8: {  	v37 =	vadd.s32 v4, v28;
	v38 =	vadd.s32 v2, v16;
	v32 =	vld.idx.msk [tilespmem:v32+s17+$0x0], $0xffff;
	[tilespmem:s10+$0xC0] =	vst v40  }
0x1d9: {  	[tilespmem:s6+$0xFFFFFF10] =	vst v36;
	v34 =	vld.idx.msk [tilespmem:v34+s17+$0x0], $0xffff  }
0x1da: {  	v36 =	vld.idx.msk [tilespmem:v44+s17+$0x0], $0xffff;
	[tilespmem:s6+$0x80] =	vst v42  }
0x1db: {  	v40 =	vadd.s32 v4, v13;
	v33 =	vld.idx.msk [tilespmem:v33+s17+$0x0], $0xffff;
	[tilespmem:s10+$0xFFFFFFD0] =	vst v45  }
0x1dc: {  	v42 =	vadd.s32 v6, v29;
	v45 =	vor.u32 s3, v26;
	v26 =	vmovc v39;
	[tilespmem:s6+$0xFFFFFF90] =	vst v30;
	v44 =	vld.idx.msk [tilespmem:v22+s17+$0x0], $0xffff;
	v22 =	vmov v31  }
0x1dd: {  	v31 =	vld.idx.msk [tilespmem:v37+s17+$0x0], $0xffff;
	[tilespmem:s10+$0x50] =	vst v35  }
0x1de: {  	[tilespmem:s6+$0x10] =	vst v32;
	v29 =	vld.idx.msk [tilespmem:v38+s17+$0x0], $0xffff  }
.Ltmp6:
0x1df: {  	v37 =	vadd.s32 v4, v16;
	v38 =	vadd.s32 v6, v28;
	v28 =	vld.idx.msk [tilespmem:v24+s17+$0x0], $0xffff;
	[tilespmem:s10+$0xD0] =	vst v34;
	v24 =	vmov v47;
	(pc) =	sbr.rel @p1 .LBB2_13-.Ltmp6, $4  }
0x1e0: {  	v30 =	vadd.s32 s0, v11;
	s0 =	smov.u32 s8;
	[tilespmem:s6+$0xFFFFFF20] =	vst v36;
	v35 =	vld.idx.msk [tilespmem:v40+s17+$0x0], $0xffff  }
0x1e1: {  	v30 =	vand.u32 $0x7F, v30;
	v32 =	vadd.s32 s0, v8;
	v34 =	vld.idx.msk [tilespmem:v42+s17+$0x0], $0xffff;
	[tilespmem:s10+$0xFFFFFF60] =	vst v33  }
0x1e2: {  	v30 =	vor.u32 s7, v30;
	s7 =	smov.u32 s9;
	v32 =	vand.u32 $0x7F, v32;
	[tilespmem:s10+$0xFFFFFFE0] =	vst v44;
	v33 =	vld.idx.msk [tilespmem:v45+s17+$0x0], $0xffff  }
0x1e3: {  	s13 =	smov.u32 s2;
	v36 =	vor.u32 s7, v32;
	[tilespmem:s6+$0xFFFFFFA0] =	vst v31;
	v32 =	vld.idx.msk [tilespmem:v19+s17+$0x0], $0xffff;
	v31 =	vor.u32 s3, v25;
	v19 =	vmovc v41;
	v25 =	vmov v43;
	s3 =	smov.u32 s5;
	s5 =	sadd.s32 $0x200, s5  }
0x1e4: {  	_ =	sdelay $0x2  }
0x1e5: {  	[tilespmem:s6+$0x90] =	vst v29;
	v13 =	vadd.s32 v6, v13  }
0x1e6: {  	v29 =	vld.idx.msk [tilespmem:v37+s17+$0x0], $0xffff  }
0x1e7: {  	v16 =	vadd.s32 v6, v16;
	_ =	sdelay $0x1  }
0x1e8: {  	v52 =	vld.idx.msk [tilespmem:v38+s17+$0x0], $0xffff;
	[tilespmem:s6+$0x20] =	vst v35  }
0x1e9: {  	v13 =	vld.idx.msk [tilespmem:v13+s17+$0x0], $0xffff  }
0x1ea: {  	[tilespmem:s6+$0xA0] =	vst v29  }
0x1eb: {  	v16 =	vld.idx.msk [tilespmem:v16+s17+$0x0], $0xffff  }
0x1ec: {  	v21 =	vor.u32 s3, v21  }
0x1ed: {  	[tilespmem:s6+$0xFFFFFFB0] =	vst v52  }
0x1ee: {  	v15 =	vld.idx.msk [tilespmem:v15+s17+$0x0], $0xffff;
	[tilespmem:s6+$0x30] =	vst v13  }
0x1ef: {  	[tilespmem:s6+$0xFFFFFF30] =	vst v34;
	v13 =	vadd.s32 s0, v9;
	v18 =	vld.idx.msk [tilespmem:v18+s17+$0x0], $0xffff  }
0x1f0: {  	v53 =	vld.idx.msk [tilespmem:v36+s17+$0x0], $0xffff;
	v13 =	vand.u32 $0x7F, v13;
	[tilespmem:s6+$0xB0] =	vst v16  }
0x1f1: {  	v13 =	vor.u32 s7, v13;
	v16 =	vld.idx.msk [tilespmem:v21+s17+$0x0], $0xffff  }
0x1f2: {  	v54 =	vor.u32 s3, v23  }
0x1f3: {  	[tilespmem:s6+$0xFFFFFFC0] =	vst v15  }
0x1f4: {  	v15 =	vld.idx.msk [tilespmem:v17+s17+$0x0], $0xffff;
	[tilespmem:s6+$0x40] =	vst v18  }
0x1f5: {  	v55 =	vadd.s32 s0, v10;
	[tilespmem:s6+$0xFFFFFF40] =	vst v53;
	v18 =	vld.idx.msk [tilespmem:v20+s17+$0x0], $0xffff  }
0x1f6: {  	v17 =	vand.u32 $0x7F, v55;
	v13 =	vld.idx.msk [tilespmem:v13+s17+$0x0], $0xffff;
	[tilespmem:s6+$0xC0] =	vst v16  }
0x1f7: {  	[tilespmem:s10+$0x60] =	vst v28;
	v56 =	vor.u32 s7, v17;
	v57 =	vld.idx.msk [tilespmem:v54+s17+$0x0], $0xffff  }
0x1f8: {  	v58 =	vor.u32 s3, v26;
	[tilespmem:s10+$0xE0] =	vst v33  }
0x1f9: {  	v14 =	vld.idx.msk [tilespmem:v14+s17+$0x0], $0xffff;
	[tilespmem:s6+$0xFFFFFFD0] =	vst v15  }
0x1fa: {  	v15 =	vld.idx.msk [tilespmem:v22+s17+$0x0], $0xffff;
	[tilespmem:s6+$0x50] =	vst v18  }
0x1fb: {  	v59 =	vadd.s32 s0, v11;
	[tilespmem:s6+$0xFFFFFF50] =	vst v13;
	v13 =	vld.idx.msk [tilespmem:v24+s17+$0x0], $0xffff  }
0x1fc: {  	v60 =	vand.u32 $0x7F, v59;
	v16 =	vld.idx.msk [tilespmem:v56+s17+$0x0], $0xffff;
	[tilespmem:s6+$0xD0] =	vst v57  }
0x1fd: {  	[tilespmem:s10+$0xFFFFFFF0] =	vst v32;
	v17 =	vor.u32 s7, v60;
	v61 =	vld.idx.msk [tilespmem:v58+s17+$0x0], $0xffff  }
0x1fe: {  	v62 =	vld.idx.msk [tilespmem:v30+s17+$0x0], $0xffff;
	[tilespmem:s10+$0x70] =	vst v14;
	v14 =	vor.u32 s3, v25  }
0x1ff: {  	v63 =	vld.idx.msk [tilespmem:v31+s17+$0x0], $0xffff;
	[tilespmem:s6+$0xFFFFFFE0] =	vst v15  }
0x200: {  	v15 =	vld.idx.msk [tilespmem:v19+s17+$0x0], $0xffff;
	[tilespmem:s6+$0x60] =	vst v13  }
0x201: {  	[tilespmem:s6+$0xFFFFFF60] =	vst v16;
	v13 =	vld.idx.msk [tilespmem:v27+s17+$0x0], $0xffff  }
0x202: {  	v16 =	vld.idx.msk [tilespmem:v17+s17+$0x0], $0xffff;
	[tilespmem:s6+$0xE0] =	vst v61  }
0x203: {  	[tilespmem:s10+$0xFFFFFF70] =	vst v62;
	v14 =	vld.idx.msk [tilespmem:v14+s17+$0x0], $0xffff  }
0x204: {  	p1 =	sne.s32 s28, $0x40;
	[tilespmem:s10+$0xF0] =	vst v63  }
.Ltmp7:
0x205: {  	[tilespmem:s6+$0xFFFFFFF0] =	vst v15;
	(pc) =	sbr.rel @p1 .LBB2_2-.Ltmp7, $4  }
0x206: {  	s30 =	sshll.u32 s31, $0x7;
	[tilespmem:s6+$0x70] =	vst v13  }
0x207: {  	s1 =	sadd.s32 s22, s1;
	s31 =	simm.s32 $0x1000;
	s2 =	simm.s32 $0x18000;
	[tilespmem:s6+$0xFFFFFF70] =	vst v16  }
0x208: {  	p0 =	por !p0, !p0;
	s26 =	sadd.s32 $0x2, s26;
	s0 =	sadd.s32 s30, s1;
	[tilespmem:s6+$0xF0] =	vst v14  }
0x209: {  	[hbm4b:s0+s25] =	stream.strided.scatter [tilespmem:s2], [sflag:$0x4], $0x2000, s31, s25, $0x38;
	[tilespmem:$0x1A080] =	vst v63  }
0x20a: {  	s0 =	simm.s32 $0x3  }
0x20b: {  	_ =	swait.ge [sflag:s0], $0x2000  }
0x20c: {  	[sflag:s0] =	ssyncset.done $0x0  }
0x20d: {  	s1 =	simm.s32 $0x4;
	[sflag:s0] =	ssyncadd.s32 $0xFFFFE000  }
0x20e: {  	_ =	swait.ge [sflag:s1], $0x2000  }
0x20f: {  	s2 =	rddreg [dreg:$0x9]  }
0x210: {  	s31 =	rddreg [dreg:$0x8];
	s2 =	sadd.s32 $0x1, s2  }
0x211: {  	p0 =	sne.s32 s2, s31  }
.Ltmp8:
0x212: {  	_ = 	snop;
	(pc) =	sbr.rel @p0 .LBB2_1-.Ltmp8, $3  }
0x213: {  	_ =	sdelay $0x1  }
0x214: {  	[sflag:s1] =	ssyncset.done $0x0  }
0x215: {  	[sflag:s1] =	ssyncadd.s32 $0xFFFFE000  }
0x216: {  	_ =	sfence.sel $0x180000  }
0x217: {  	[bflag:$0x0] =	sbarrier.arrive $0xFFFF  }
0x218: {  	_ =	strace $0x90000047  }
0x219: {  	s0 =	stileid.u32;
	[bflag:$0x2] =	sbarrier.arrive $0xFFFF  }
0x21a: {  	p0 =	sne.s32 s0, $0x0;
	s0 =	rddreg [dreg:$0x2]  }
0x21b: {  	s0 =	sadd.s32 @!p0 $0x100000, s0  }
0x21c: {  	[sflag:s0] =	ssyncadd.tile.s32 @!p0 $0x1;
	_ =	shalt  }
.Lfunc_end2:
_tile_overlayer_lowered:
.L_overlay_start_2:
0x21d: {  	(tag) =	ssettag $0x2  }
0x21e: {  	s0 =	rddreg [dreg:$0x0];
	s2 =	stileid.u32  }
0x21f: {  	s1 =	rddreg [dreg:$0x1];
	p0 =	sne.s32 s2, $0x0  }
0x220: {  	s3 =	rddreg [dreg:$0x2];
	[bflag:$0x3] =	sbarrier.arrive $0xFFFF;
	s2 =	simm.s32 @!p0 $0x1C05  }
0x221: {  	[timem:s3], [sflag:s2] =	dma.local @!p0 [hbm:s0], s1  }
0x222: {  	s0 =	simm.s32 @!p0 $0x5  }
0x223: {  	_ =	swait.ge @!p0 [sflag:s0], s1  }
0x224: {  	s1 =	ssub.s32 @!p0 $0x0, s1;
	[sflag:s0] =	ssyncset.done @!p0 $0x0  }
0x225: {  	[sflag:s0] =	ssyncadd.s32 @!p0 s1  }
0x226: {  	[bflag:$0x3] =	sbarrier.arrive $0xFFFF  }
0x227: {  	_ =	shalt  }

</sc_bundles>
